<compile_context>
chip_gen: v7x
topology: tpu7x:2x2x1
jax: 0.10.2.dev20260603
libtpu: 0.0.44.dev20260713+nightly
codegen_flags: <defaults>
</compile_context>

<pallas_src>
import functools

import jax
import jax.numpy as jnp
from jax import lax
from jax.experimental import pallas as pl
from jax.experimental.pallas import tpu as pltpu, tpu_sc as plsc

_N, _C, _H, _W = 1024, 256, 28, 28
_P = _H * _W
_NS = 2


def _mean_body(zt_ref, out_ref):
    w = None
    for j in range(4):
        for i in range(4):
            t = zt_ref[i, j]
            w = t if w is None else w + t
    wi, wj = pl.program_id(1), pl.program_id(2)
    first = (wi == 0) & (wj == 0)
    last = (wi == 6) & (wj == 6)

    @pl.when(first)
    def _init():
        out_ref[...] = w

    @pl.when(~first & ~last)
    def _accum():
        out_ref[...] = out_ref[...] + w

    @pl.when(last)
    def _final():
        out_ref[...] = (out_ref[...] + w) * jnp.float32(1.0 / _P)


def _spatial_mean(z):
    zt = jnp.transpose(z, (2, 3, 0, 1))
    nb = _N // _NS
    return pl.pallas_call(
        _mean_body,
        grid=(_NS, 7, 7),
        in_specs=[pl.BlockSpec((4, 4, nb, _C), lambda n, a, b: (a, b, n, 0))],
        out_specs=pl.BlockSpec((nb, _C), lambda n, a, b: (n, 0)),
        out_shape=jax.ShapeDtypeStruct((_N, _C), jnp.float32),
        compiler_params=pltpu.CompilerParams(
            dimension_semantics=("arbitrary", "arbitrary", "arbitrary")),
    )(zt)


def _sc_gate(y):
    mesh = plsc.VectorSubcoreMesh(core_axis_name="c", subcore_axis_name="s")
    yt = y.T

    @functools.partial(
        pl.kernel, mesh=mesh,
        out_type=[jax.ShapeDtypeStruct((6, _N), jnp.float32),
                  jax.ShapeDtypeStruct((6, _N), jnp.float32)],
        scratch_types=[pltpu.VMEM((7 * _N,), jnp.float32),
                       pltpu.VMEM((6, 32), jnp.float32),
                       pltpu.VMEM((6, 32), jnp.float32),
                       pltpu.SemaphoreType.DMA],
    )
    def gate(y_hbm, hard_hbm, soft_hbm, yv, hv, sv, sem):
        wid = lax.axis_index("s") * 2 + lax.axis_index("c")
        base = wid * 32
        pltpu.sync_copy(y_hbm, yv)
        for half in range(2):
            sl = pl.ds(half * 16, 16)
            y = [yv[pl.ds(k * _N + base + half * 16, 16)] for k in range(7)]
            best = y[0]
            idx = jnp.zeros((16,), jnp.int32)
            for k in range(1, 7):
                p = y[k] > best
                best = jnp.where(p, y[k], best)
                idx = jnp.where(p, k, idx)
            m = y[0]
            for k in range(1, 7):
                m = jnp.maximum(m, y[k])
            e = [jnp.exp(yk - m) for yk in y]
            ssum = e[0]
            for k in range(1, 7):
                ssum = ssum + e[k]
            soft = [ek / ssum for ek in e]
            suf = soft[6]
            sv[5, sl] = suf
            for j in range(4, -1, -1):
                suf = suf + soft[j + 1]
                sv[j, sl] = suf
            for j in range(6):
                hv[j, sl] = jnp.where(idx >= j + 1, 1.0, 0.0).astype(jnp.float32)
        copies = []
        for j in range(6):
            copies.append(pltpu.async_copy(
                hv.at[j], hard_hbm.at[j, pl.ds(base, 32)], sem))
            copies.append(pltpu.async_copy(
                sv.at[j], soft_hbm.at[j, pl.ds(base, 32)], sem))
        for c in copies:
            c.wait()

    hard_t, soft_t = gate(yt.reshape(7 * _N))
    return hard_t.T, soft_t.T


def _bn_train(x, gamma, beta, eps=1e-5):
    mu = x.mean(0)
    var = x.var(0)
    return gamma * (x - mu) / jnp.sqrt(var + eps) + beta


def kernel(z, SNR, W1, b1, g1, be1, W2, b2, g2, be2, W3, b3, temp):
    feat = jnp.concatenate([_spatial_mean(z), SNR], axis=-1)
    h = feat @ W1.T + b1
    h = jax.nn.relu(h)
    h = _bn_train(h, g1, be1)
    h = h @ W2.T + b2
    h = jax.nn.relu(h)
    h = _bn_train(h, g2, be2)
    logits = h @ W3.T + b3
    g = jax.random.gumbel(jax.random.key(42), logits.shape, dtype=logits.dtype)
    y = (logits + g) / temp
    hard_mask, soft_mask = _sc_gate(y)
    return (hard_mask, soft_mask, logits)

# --- scband reference (transcript-rebuilt; emitter-appended) ---
"""Pipeline reference for scband-policy-dyna-15290083574137 (READ-ONLY COPY).

The authoritative reference and input builder live on the scoring server;
editing this copy changes nothing except your own understanding.
"""

import jax, jax.numpy as jnp
import numpy as np


def one_hot_to_thermo(h):
    h = jnp.flip(h, -1)
    s = jnp.cumsum(h, -1)
    return jnp.flip(s, -1)


def batchnorm_train(x, gamma, beta, eps=1e-5):
    mu = x.mean(0)
    var = x.var(0)
    return gamma * (x - mu) / jnp.sqrt(var + eps) + beta


def setup_inputs(seed: int = 0) -> dict:
    key = jax.random.key(seed)
    ks = jax.random.split(key, 10)
    N, C, W, H = 1024, 256, 28, 28
    d_in = C + 1
    z = jax.random.normal(ks[0], (N, C, W, H), dtype=jnp.float32)
    SNR = jax.random.uniform(ks[1], (N, 1), dtype=jnp.float32)

    def lin(k, fan_in, shape):
        bound = 1.0 / np.sqrt(fan_in)
        return jax.random.uniform(k, shape, minval=-bound, maxval=bound, dtype=jnp.float32)

    W1 = lin(ks[2], d_in, (64, d_in))
    b1 = lin(ks[3], d_in, (64,))
    W2 = lin(ks[4], 64, (64, 64))
    b2 = lin(ks[5], 64, (64,))
    W3 = lin(ks[6], 64, (7, 64))
    b3 = lin(ks[7], 64, (7,))
    g1 = jnp.ones((64,), dtype=jnp.float32)
    be1 = jnp.zeros((64,), dtype=jnp.float32)
    g2 = jnp.ones((64,), dtype=jnp.float32)
    be2 = jnp.zeros((64,), dtype=jnp.float32)
    return {"z": z, "SNR": SNR, "W1": W1, "b1": b1, "g1": g1, "be1": be1,
            "W2": W2, "b2": b2, "g2": g2, "be2": be2, "W3": W3, "b3": b3,
            "temp": 5}


def reference(z, SNR, W1, b1, g1, be1, W2, b2, g2, be2, W3, b3, temp=5):
    # gate MLP on (spatial-mean features, SNR)
    feat = jnp.concatenate([z.mean((-2, -1)), SNR], axis=-1)
    h = feat @ W1.T + b1
    h = jax.nn.relu(h)
    h = batchnorm_train(h, g1, be1)
    h = h @ W2.T + b2
    h = jax.nn.relu(h)
    h = batchnorm_train(h, g2, be2)
    logits = h @ W3.T + b3
    # gumbel softmax (soft) with fixed key for determinism
    g = jax.random.gumbel(jax.random.key(42), logits.shape, dtype=logits.dtype)
    soft = jax.nn.softmax((logits + g) / temp, axis=-1)
    # straight-through hard one-hot
    index = jax.nn.one_hot(jnp.argmax(soft, axis=-1), soft.shape[-1], dtype=soft.dtype)
    bias = jax.lax.stop_gradient(index - soft)
    hard = soft + bias
    soft_mask = one_hot_to_thermo(soft[:, 1:])
    hard_mask = one_hot_to_thermo(hard[:, 1:])
    return (hard_mask, soft_mask, logits)

if __name__ == "__main__":
    import jax
    _d = setup_inputs()
    print(jax.jit(kernel)(*tuple(_d.values())))

</pallas_src>

<mosaic_0001>
#map = affine_map<(d0, d1) -> (0)>
#map1 = affine_map<(d0, d1) -> (0, 0)>
module attributes {stable_mosaic.version = 14 : i64} {
  func.func @gate(%arg0: i32, %arg1: i32, %arg2: memref<7168xf32, #tpu.memory_space<hbm>>, %arg3: memref<6x1024xf32, #tpu.memory_space<hbm>>, %arg4: memref<6x1024xf32, #tpu.memory_space<hbm>>, %arg5: memref<7168xf32, #tpu.memory_space<vmem>>, %arg6: memref<6x32xf32, #tpu.memory_space<vmem>>, %arg7: memref<6x32xf32, #tpu.memory_space<vmem>>, %arg8: memref<!tpu.dma_semaphore, #tpu.memory_space<semaphore_mem>>) attributes {dimension_semantics = [#tpu.dimension_semantics<core_parallel>, #tpu.dimension_semantics<subcore_parallel>], iteration_bounds = array<i64: 2, 16>, scalar_prefetch = 0 : i64, scratch_operands = 4 : i64, tpu.core_type = #tpu.core_type<sc_vector_subcore>, window_params = [{transform_indices = #map}, {transform_indices = #map1}, {transform_indices = #map1}]} {
    %mul3A = arith.constant 2 : i32
    %mul3A_0 = arith.muli %arg1, %mul3A : i32
    %add3A = arith.addi %mul3A_0, %arg0 : i32
    %mul3A_1 = arith.constant 32 : i32
    %mul3A_2 = arith.muli %add3A, %mul3A_1 : i32
    "tpu.region"() ({
      %run_scoped3A = tpu.sem_alloc : memref<!tpu.dma_semaphore, #tpu.memory_space<semaphore_mem>>
      tpu.enqueue_dma source(%arg2 : memref<7168xf32, #tpu.memory_space<hbm>>) target(%arg5 : memref<7168xf32, #tpu.memory_space<vmem>>) target_semaphore(%run_scoped3A : memref<!tpu.dma_semaphore, #tpu.memory_space<semaphore_mem>>)
      tpu.wait_dma2 semaphore(%run_scoped3A : memref<!tpu.dma_semaphore, #tpu.memory_space<semaphore_mem>>) src(%arg2 : memref<7168xf32, #tpu.memory_space<hbm>>) dst(%arg5 : memref<7168xf32, #tpu.memory_space<vmem>>)
      tpu.yield
    }) : () -> ()
    %add3A_3 = arith.constant 0 : i32
    %add3A_4 = arith.addi %add3A_3, %mul3A_2 : i32
    %add3A_5 = arith.constant 0 : i32
    %add3A_6 = arith.addi %add3A_4, %add3A_5 : i32
    %get3A = arith.index_cast %add3A_6 : i32 to index
    %get3A_7 = tpu.vector_load %arg5[%get3A] {strides = array<i32>} : memref<7168xf32, #tpu.memory_space<vmem>>, vector<16xf32>,
    %get3A_8 = vector.shape_cast %get3A_7 : vector<16xf32> to vector<16xf32>
    %add3A_9 = arith.constant 1024 : i32
    %add3A_10 = arith.addi %add3A_9, %mul3A_2 : i32
    %add3A_11 = arith.constant 0 : i32
    %add3A_12 = arith.addi %add3A_10, %add3A_11 : i32
    %get3A_13 = arith.index_cast %add3A_12 : i32 to index
    %get3A_14 = tpu.vector_load %arg5[%get3A_13] {strides = array<i32>} : memref<7168xf32, #tpu.memory_space<vmem>>, vector<16xf32>,
    %get3A_15 = vector.shape_cast %get3A_14 : vector<16xf32> to vector<16xf32>
    %add3A_16 = arith.constant 2048 : i32
    %add3A_17 = arith.addi %add3A_16, %mul3A_2 : i32
    %add3A_18 = arith.constant 0 : i32
    %add3A_19 = arith.addi %add3A_17, %add3A_18 : i32
    %get3A_20 = arith.index_cast %add3A_19 : i32 to index
    %get3A_21 = tpu.vector_load %arg5[%get3A_20] {strides = array<i32>} : memref<7168xf32, #tpu.memory_space<vmem>>, vector<16xf32>,
    %get3A_22 = vector.shape_cast %get3A_21 : vector<16xf32> to vector<16xf32>
    %add3A_23 = arith.constant 3072 : i32
    %add3A_24 = arith.addi %add3A_23, %mul3A_2 : i32
    %add3A_25 = arith.constant 0 : i32
    %add3A_26 = arith.addi %add3A_24, %add3A_25 : i32
    %get3A_27 = arith.index_cast %add3A_26 : i32 to index
    %get3A_28 = tpu.vector_load %arg5[%get3A_27] {strides = array<i32>} : memref<7168xf32, #tpu.memory_space<vmem>>, vector<16xf32>,
    %get3A_29 = vector.shape_cast %get3A_28 : vector<16xf32> to vector<16xf32>
    %add3A_30 = arith.constant 4096 : i32
    %add3A_31 = arith.addi %add3A_30, %mul3A_2 : i32
    %add3A_32 = arith.constant 0 : i32
    %add3A_33 = arith.addi %add3A_31, %add3A_32 : i32
    %get3A_34 = arith.index_cast %add3A_33 : i32 to index
    %get3A_35 = tpu.vector_load %arg5[%get3A_34] {strides = array<i32>} : memref<7168xf32, #tpu.memory_space<vmem>>, vector<16xf32>,
    %get3A_36 = vector.shape_cast %get3A_35 : vector<16xf32> to vector<16xf32>
    %add3A_37 = arith.constant 5120 : i32
    %add3A_38 = arith.addi %add3A_37, %mul3A_2 : i32
    %add3A_39 = arith.constant 0 : i32
    %add3A_40 = arith.addi %add3A_38, %add3A_39 : i32
    %get3A_41 = arith.index_cast %add3A_40 : i32 to index
    %get3A_42 = tpu.vector_load %arg5[%get3A_41] {strides = array<i32>} : memref<7168xf32, #tpu.memory_space<vmem>>, vector<16xf32>,
    %get3A_43 = vector.shape_cast %get3A_42 : vector<16xf32> to vector<16xf32>
    %add3A_44 = arith.constant 6144 : i32
    %add3A_45 = arith.addi %add3A_44, %mul3A_2 : i32
    %add3A_46 = arith.constant 0 : i32
    %add3A_47 = arith.addi %add3A_45, %add3A_46 : i32
    %get3A_48 = arith.index_cast %add3A_47 : i32 to index
    %get3A_49 = tpu.vector_load %arg5[%get3A_48] {strides = array<i32>} : memref<7168xf32, #tpu.memory_space<vmem>>, vector<16xf32>,
    %get3A_50 = vector.shape_cast %get3A_49 : vector<16xf32> to vector<16xf32>
    %broadcast_in_dim3A = arith.constant 0 : i32
    %broadcast_in_dim3A_51 = vector.broadcast %broadcast_in_dim3A : i32 to vector<16xi32>
    %gt3A = arith.cmpf ogt, %get3A_15, %get3A_8 : vector<16xf32>
    %select_n3A = arith.select %gt3A, %get3A_15, %get3A_8 : vector<16xi1>, vector<16xf32>
    %jit3A = arith.constant 1 : i32
    %broadcast_in_dim3A_52 = vector.broadcast %jit3A : i32 to vector<16xi32>
    %select_n3A_53 = arith.select %gt3A, %broadcast_in_dim3A_52, %broadcast_in_dim3A_51 : vector<16xi1>, vector<16xi32>
    %gt3A_54 = arith.cmpf ogt, %get3A_22, %select_n3A : vector<16xf32>
    %select_n3A_55 = arith.select %gt3A_54, %get3A_22, %select_n3A : vector<16xi1>, vector<16xf32>
    %jit3A_56 = arith.constant 2 : i32
    %broadcast_in_dim3A_57 = vector.broadcast %jit3A_56 : i32 to vector<16xi32>
    %select_n3A_58 = arith.select %gt3A_54, %broadcast_in_dim3A_57, %select_n3A_53 : vector<16xi1>, vector<16xi32>
    %gt3A_59 = arith.cmpf ogt, %get3A_29, %select_n3A_55 : vector<16xf32>
    %select_n3A_60 = arith.select %gt3A_59, %get3A_29, %select_n3A_55 : vector<16xi1>, vector<16xf32>
    %jit3A_61 = arith.constant 3 : i32
    %broadcast_in_dim3A_62 = vector.broadcast %jit3A_61 : i32 to vector<16xi32>
    %select_n3A_63 = arith.select %gt3A_59, %broadcast_in_dim3A_62, %select_n3A_58 : vector<16xi1>, vector<16xi32>
    %gt3A_64 = arith.cmpf ogt, %get3A_36, %select_n3A_60 : vector<16xf32>
    %select_n3A_65 = arith.select %gt3A_64, %get3A_36, %select_n3A_60 : vector<16xi1>, vector<16xf32>
    %jit3A_66 = arith.constant 4 : i32
    %broadcast_in_dim3A_67 = vector.broadcast %jit3A_66 : i32 to vector<16xi32>
    %select_n3A_68 = arith.select %gt3A_64, %broadcast_in_dim3A_67, %select_n3A_63 : vector<16xi1>, vector<16xi32>
    %gt3A_69 = arith.cmpf ogt, %get3A_43, %select_n3A_65 : vector<16xf32>
    %select_n3A_70 = arith.select %gt3A_69, %get3A_43, %select_n3A_65 : vector<16xi1>, vector<16xf32>
    %jit3A_71 = arith.constant 5 : i32
    %broadcast_in_dim3A_72 = vector.broadcast %jit3A_71 : i32 to vector<16xi32>
    %select_n3A_73 = arith.select %gt3A_69, %broadcast_in_dim3A_72, %select_n3A_68 : vector<16xi1>, vector<16xi32>
    %gt3A_74 = arith.cmpf ogt, %get3A_50, %select_n3A_70 : vector<16xf32>
    %select_n3A_75 = arith.select %gt3A_74, %get3A_50, %select_n3A_70 : vector<16xi1>, vector<16xf32>
    %jit3A_76 = arith.constant 6 : i32
    %broadcast_in_dim3A_77 = vector.broadcast %jit3A_76 : i32 to vector<16xi32>
    %select_n3A_78 = arith.select %gt3A_74, %broadcast_in_dim3A_77, %select_n3A_73 : vector<16xi1>, vector<16xi32>
    %max3A = arith.maximumf %get3A_8, %get3A_15 : vector<16xf32>
    %max3A_79 = arith.maximumf %max3A, %get3A_22 : vector<16xf32>
    %max3A_80 = arith.maximumf %max3A_79, %get3A_29 : vector<16xf32>
    %max3A_81 = arith.maximumf %max3A_80, %get3A_36 : vector<16xf32>
    %max3A_82 = arith.maximumf %max3A_81, %get3A_43 : vector<16xf32>
    %max3A_83 = arith.maximumf %max3A_82, %get3A_50 : vector<16xf32>
    %sub3A = arith.subf %get3A_8, %max3A_83 : vector<16xf32>
    %exp3A = math.exp %sub3A : vector<16xf32>
    %sub3A_84 = arith.subf %get3A_15, %max3A_83 : vector<16xf32>
    %exp3A_85 = math.exp %sub3A_84 : vector<16xf32>
    %sub3A_86 = arith.subf %get3A_22, %max3A_83 : vector<16xf32>
    %exp3A_87 = math.exp %sub3A_86 : vector<16xf32>
    %sub3A_88 = arith.subf %get3A_29, %max3A_83 : vector<16xf32>
    %exp3A_89 = math.exp %sub3A_88 : vector<16xf32>
    %sub3A_90 = arith.subf %get3A_36, %max3A_83 : vector<16xf32>
    %exp3A_91 = math.exp %sub3A_90 : vector<16xf32>
    %sub3A_92 = arith.subf %get3A_43, %max3A_83 : vector<16xf32>
    %exp3A_93 = math.exp %sub3A_92 : vector<16xf32>
    %sub3A_94 = arith.subf %get3A_50, %max3A_83 : vector<16xf32>
    %exp3A_95 = math.exp %sub3A_94 : vector<16xf32>
    %add3A_96 = arith.addf %exp3A, %exp3A_85 : vector<16xf32>
    %add3A_97 = arith.addf %add3A_96, %exp3A_87 : vector<16xf32>
    %add3A_98 = arith.addf %add3A_97, %exp3A_89 : vector<16xf32>
    %add3A_99 = arith.addf %add3A_98, %exp3A_91 : vector<16xf32>
    %add3A_100 = arith.addf %add3A_99, %exp3A_93 : vector<16xf32>
    %add3A_101 = arith.addf %add3A_100, %exp3A_95 : vector<16xf32>
    %div3A = arith.divf %exp3A, %add3A_101 : vector<16xf32>
    %div3A_102 = arith.divf %exp3A_85, %add3A_101 : vector<16xf32>
    %div3A_103 = arith.divf %exp3A_87, %add3A_101 : vector<16xf32>
    %div3A_104 = arith.divf %exp3A_89, %add3A_101 : vector<16xf32>
    %div3A_105 = arith.divf %exp3A_91, %add3A_101 : vector<16xf32>
    %div3A_106 = arith.divf %exp3A_93, %add3A_101 : vector<16xf32>
    %div3A_107 = arith.divf %exp3A_95, %add3A_101 : vector<16xf32>
    %swap3A = arith.constant 5 : i32
    %swap3A_108 = arith.index_cast %swap3A : i32 to index
    %swap3A_109 = arith.constant 0 : index
    %swap3A_110 = tpu.vector_load %arg7[%swap3A_108, %swap3A_109] {strides = array<i32>} : memref<6x32xf32, #tpu.memory_space<vmem>>, vector<1x16xf32>,
    %swap3A_111 = vector.shape_cast %swap3A_110 : vector<1x16xf32> to vector<16xf32>
    %swap3A_112 = vector.shape_cast %div3A_107 : vector<16xf32> to vector<1x16xf32>
    tpu.vector_store %arg7[%swap3A_108, %swap3A_109], %swap3A_112 {strides = array<i32>} : memref<6x32xf32, #tpu.memory_space<vmem>>, vector<1x16xf32>,
    %add3A_113 = arith.addf %div3A_107, %div3A_106 : vector<16xf32>
    %swap3A_114 = arith.constant 4 : i32
    %swap3A_115 = arith.index_cast %swap3A_114 : i32 to index
    %swap3A_116 = arith.constant 0 : index
    %swap3A_117 = tpu.vector_load %arg7[%swap3A_115, %swap3A_116] {strides = array<i32>} : memref<6x32xf32, #tpu.memory_space<vmem>>, vector<1x16xf32>,
    %swap3A_118 = vector.shape_cast %swap3A_117 : vector<1x16xf32> to vector<16xf32>
    %swap3A_119 = vector.shape_cast %add3A_113 : vector<16xf32> to vector<1x16xf32>
    tpu.vector_store %arg7[%swap3A_115, %swap3A_116], %swap3A_119 {strides = array<i32>} : memref<6x32xf32, #tpu.memory_space<vmem>>, vector<1x16xf32>,
    %add3A_120 = arith.addf %add3A_113, %div3A_105 : vector<16xf32>
    %swap3A_121 = arith.constant 3 : i32
    %swap3A_122 = arith.index_cast %swap3A_121 : i32 to index
    %swap3A_123 = arith.constant 0 : index
    %swap3A_124 = tpu.vector_load %arg7[%swap3A_122, %swap3A_123] {strides = array<i32>} : memref<6x32xf32, #tpu.memory_space<vmem>>, vector<1x16xf32>,
    %swap3A_125 = vector.shape_cast %swap3A_124 : vector<1x16xf32> to vector<16xf32>
    %swap3A_126 = vector.shape_cast %add3A_120 : vector<16xf32> to vector<1x16xf32>
    tpu.vector_store %arg7[%swap3A_122, %swap3A_123], %swap3A_126 {strides = array<i32>} : memref<6x32xf32, #tpu.memory_space<vmem>>, vector<1x16xf32>,
    %add3A_127 = arith.addf %add3A_120, %div3A_104 : vector<16xf32>
    %swap3A_128 = arith.constant 2 : i32
    %swap3A_129 = arith.index_cast %swap3A_128 : i32 to index
    %swap3A_130 = arith.constant 0 : index
    %swap3A_131 = tpu.vector_load %arg7[%swap3A_129, %swap3A_130] {strides = array<i32>} : memref<6x32xf32, #tpu.memory_space<vmem>>, vector<1x16xf32>,
    %swap3A_132 = vector.shape_cast %swap3A_131 : vector<1x16xf32> to vector<16xf32>
    %swap3A_133 = vector.shape_cast %add3A_127 : vector<16xf32> to vector<1x16xf32>
    tpu.vector_store %arg7[%swap3A_129, %swap3A_130], %swap3A_133 {strides = array<i32>} : memref<6x32xf32, #tpu.memory_space<vmem>>, vector<1x16xf32>,
    %add3A_134 = arith.addf %add3A_127, %div3A_103 : vector<16xf32>
    %swap3A_135 = arith.constant 1 : i32
    %swap3A_136 = arith.index_cast %swap3A_135 : i32 to index
    %swap3A_137 = arith.constant 0 : index
    %swap3A_138 = tpu.vector_load %arg7[%swap3A_136, %swap3A_137] {strides = array<i32>} : memref<6x32xf32, #tpu.memory_space<vmem>>, vector<1x16xf32>,
    %swap3A_139 = vector.shape_cast %swap3A_138 : vector<1x16xf32> to vector<16xf32>
    %swap3A_140 = vector.shape_cast %add3A_134 : vector<16xf32> to vector<1x16xf32>
    tpu.vector_store %arg7[%swap3A_136, %swap3A_137], %swap3A_140 {strides = array<i32>} : memref<6x32xf32, #tpu.memory_space<vmem>>, vector<1x16xf32>,
    %add3A_141 = arith.addf %add3A_134, %div3A_102 : vector<16xf32>
    %swap3A_142 = arith.constant 0 : i32
    %swap3A_143 = arith.index_cast %swap3A_142 : i32 to index
    %swap3A_144 = arith.constant 0 : index
    %swap3A_145 = tpu.vector_load %arg7[%swap3A_143, %swap3A_144] {strides = array<i32>} : memref<6x32xf32, #tpu.memory_space<vmem>>, vector<1x16xf32>,
    %swap3A_146 = vector.shape_cast %swap3A_145 : vector<1x16xf32> to vector<16xf32>
    %swap3A_147 = vector.shape_cast %add3A_141 : vector<16xf32> to vector<1x16xf32>
    tpu.vector_store %arg7[%swap3A_143, %swap3A_144], %swap3A_147 {strides = array<i32>} : memref<6x32xf32, #tpu.memory_space<vmem>>, vector<1x16xf32>,
    %ge3A = arith.constant 1 : i32
    %ge3A_148 = vector.broadcast %ge3A : i32 to vector<16xi32>
    %ge3A_149 = arith.cmpi sge, %select_n3A_78, %ge3A_148 : vector<16xi32>
    %jit3A_150 = arith.constant 1.000000e+00 : f32
    %jit3A_151 = arith.constant 0.000000e+00 : f32
    %broadcast_in_dim3A_152 = vector.broadcast %jit3A_150 : f32 to vector<16xf32>
    %broadcast_in_dim3A_153 = vector.broadcast %jit3A_151 : f32 to vector<16xf32>
    %select_n3A_154 = arith.select %ge3A_149, %broadcast_in_dim3A_152, %broadcast_in_dim3A_153 : vector<16xi1>, vector<16xf32>
    %swap3A_155 = arith.constant 0 : i32
    %swap3A_156 = arith.index_cast %swap3A_155 : i32 to index
    %swap3A_157 = arith.constant 0 : index
    %swap3A_158 = tpu.vector_load %arg6[%swap3A_156, %swap3A_157] {strides = array<i32>} : memref<6x32xf32, #tpu.memory_space<vmem>>, vector<1x16xf32>,
    %swap3A_159 = vector.shape_cast %swap3A_158 : vector<1x16xf32> to vector<16xf32>
    %swap3A_160 = vector.shape_cast %select_n3A_154 : vector<16xf32> to vector<1x16xf32>
    tpu.vector_store %arg6[%swap3A_156, %swap3A_157], %swap3A_160 {strides = array<i32>} : memref<6x32xf32, #tpu.memory_space<vmem>>, vector<1x16xf32>,
    %ge3A_161 = arith.constant 2 : i32
    %ge3A_162 = vector.broadcast %ge3A_161 : i32 to vector<16xi32>
    %ge3A_163 = arith.cmpi sge, %select_n3A_78, %ge3A_162 : vector<16xi32>
    %jit3A_164 = arith.constant 1.000000e+00 : f32
    %jit3A_165 = arith.constant 0.000000e+00 : f32
    %broadcast_in_dim3A_166 = vector.broadcast %jit3A_164 : f32 to vector<16xf32>
    %broadcast_in_dim3A_167 = vector.broadcast %jit3A_165 : f32 to vector<16xf32>
    %select_n3A_168 = arith.select %ge3A_163, %broadcast_in_dim3A_166, %broadcast_in_dim3A_167 : vector<16xi1>, vector<16xf32>
    %swap3A_169 = arith.constant 1 : i32
    %swap3A_170 = arith.index_cast %swap3A_169 : i32 to index
    %swap3A_171 = arith.constant 0 : index
    %swap3A_172 = tpu.vector_load %arg6[%swap3A_170, %swap3A_171] {strides = array<i32>} : memref<6x32xf32, #tpu.memory_space<vmem>>, vector<1x16xf32>,
    %swap3A_173 = vector.shape_cast %swap3A_172 : vector<1x16xf32> to vector<16xf32>
    %swap3A_174 = vector.shape_cast %select_n3A_168 : vector<16xf32> to vector<1x16xf32>
    tpu.vector_store %arg6[%swap3A_170, %swap3A_171], %swap3A_174 {strides = array<i32>} : memref<6x32xf32, #tpu.memory_space<vmem>>, vector<1x16xf32>,
    %ge3A_175 = arith.constant 3 : i32
    %ge3A_176 = vector.broadcast %ge3A_175 : i32 to vector<16xi32>
    %ge3A_177 = arith.cmpi sge, %select_n3A_78, %ge3A_176 : vector<16xi32>
    %jit3A_178 = arith.constant 1.000000e+00 : f32
    %jit3A_179 = arith.constant 0.000000e+00 : f32
    %broadcast_in_dim3A_180 = vector.broadcast %jit3A_178 : f32 to vector<16xf32>
    %broadcast_in_dim3A_181 = vector.broadcast %jit3A_179 : f32 to vector<16xf32>
    %select_n3A_182 = arith.select %ge3A_177, %broadcast_in_dim3A_180, %broadcast_in_dim3A_181 : vector<16xi1>, vector<16xf32>
    %swap3A_183 = arith.constant 2 : i32
    %swap3A_184 = arith.index_cast %swap3A_183 : i32 to index
    %swap3A_185 = arith.constant 0 : index
    %swap3A_186 = tpu.vector_load %arg6[%swap3A_184, %swap3A_185] {strides = array<i32>} : memref<6x32xf32, #tpu.memory_space<vmem>>, vector<1x16xf32>,
    %swap3A_187 = vector.shape_cast %swap3A_186 : vector<1x16xf32> to vector<16xf32>
    %swap3A_188 = vector.shape_cast %select_n3A_182 : vector<16xf32> to vector<1x16xf32>
    tpu.vector_store %arg6[%swap3A_184, %swap3A_185], %swap3A_188 {strides = array<i32>} : memref<6x32xf32, #tpu.memory_space<vmem>>, vector<1x16xf32>,
    %ge3A_189 = arith.constant 4 : i32
    %ge3A_190 = vector.broadcast %ge3A_189 : i32 to vector<16xi32>
    %ge3A_191 = arith.cmpi sge, %select_n3A_78, %ge3A_190 : vector<16xi32>
    %jit3A_192 = arith.constant 1.000000e+00 : f32
    %jit3A_193 = arith.constant 0.000000e+00 : f32
    %broadcast_in_dim3A_194 = vector.broadcast %jit3A_192 : f32 to vector<16xf32>
    %broadcast_in_dim3A_195 = vector.broadcast %jit3A_193 : f32 to vector<16xf32>
    %select_n3A_196 = arith.select %ge3A_191, %broadcast_in_dim3A_194, %broadcast_in_dim3A_195 : vector<16xi1>, vector<16xf32>
    %swap3A_197 = arith.constant 3 : i32
    %swap3A_198 = arith.index_cast %swap3A_197 : i32 to index
    %swap3A_199 = arith.constant 0 : index
    %swap3A_200 = tpu.vector_load %arg6[%swap3A_198, %swap3A_199] {strides = array<i32>} : memref<6x32xf32, #tpu.memory_space<vmem>>, vector<1x16xf32>,
    %swap3A_201 = vector.shape_cast %swap3A_200 : vector<1x16xf32> to vector<16xf32>
    %swap3A_202 = vector.shape_cast %select_n3A_196 : vector<16xf32> to vector<1x16xf32>
    tpu.vector_store %arg6[%swap3A_198, %swap3A_199], %swap3A_202 {strides = array<i32>} : memref<6x32xf32, #tpu.memory_space<vmem>>, vector<1x16xf32>,
    %ge3A_203 = arith.constant 5 : i32
    %ge3A_204 = vector.broadcast %ge3A_203 : i32 to vector<16xi32>
    %ge3A_205 = arith.cmpi sge, %select_n3A_78, %ge3A_204 : vector<16xi32>
    %jit3A_206 = arith.constant 1.000000e+00 : f32
    %jit3A_207 = arith.constant 0.000000e+00 : f32
    %broadcast_in_dim3A_208 = vector.broadcast %jit3A_206 : f32 to vector<16xf32>
    %broadcast_in_dim3A_209 = vector.broadcast %jit3A_207 : f32 to vector<16xf32>
    %select_n3A_210 = arith.select %ge3A_205, %broadcast_in_dim3A_208, %broadcast_in_dim3A_209 : vector<16xi1>, vector<16xf32>
    %swap3A_211 = arith.constant 4 : i32
    %swap3A_212 = arith.index_cast %swap3A_211 : i32 to index
    %swap3A_213 = arith.constant 0 : index
    %swap3A_214 = tpu.vector_load %arg6[%swap3A_212, %swap3A_213] {strides = array<i32>} : memref<6x32xf32, #tpu.memory_space<vmem>>, vector<1x16xf32>,
    %swap3A_215 = vector.shape_cast %swap3A_214 : vector<1x16xf32> to vector<16xf32>
    %swap3A_216 = vector.shape_cast %select_n3A_210 : vector<16xf32> to vector<1x16xf32>
    tpu.vector_store %arg6[%swap3A_212, %swap3A_213], %swap3A_216 {strides = array<i32>} : memref<6x32xf32, #tpu.memory_space<vmem>>, vector<1x16xf32>,
    %ge3A_217 = arith.constant 6 : i32
    %ge3A_218 = vector.broadcast %ge3A_217 : i32 to vector<16xi32>
    %ge3A_219 = arith.cmpi sge, %select_n3A_78, %ge3A_218 : vector<16xi32>
    %jit3A_220 = arith.constant 1.000000e+00 : f32
    %jit3A_221 = arith.constant 0.000000e+00 : f32
    %broadcast_in_dim3A_222 = vector.broadcast %jit3A_220 : f32 to vector<16xf32>
    %broadcast_in_dim3A_223 = vector.broadcast %jit3A_221 : f32 to vector<16xf32>
    %select_n3A_224 = arith.select %ge3A_219, %broadcast_in_dim3A_222, %broadcast_in_dim3A_223 : vector<16xi1>, vector<16xf32>
    %swap3A_225 = arith.constant 5 : i32
    %swap3A_226 = arith.index_cast %swap3A_225 : i32 to index
    %swap3A_227 = arith.constant 0 : index
    %swap3A_228 = tpu.vector_load %arg6[%swap3A_226, %swap3A_227] {strides = array<i32>} : memref<6x32xf32, #tpu.memory_space<vmem>>, vector<1x16xf32>,
    %swap3A_229 = vector.shape_cast %swap3A_228 : vector<1x16xf32> to vector<16xf32>
    %swap3A_230 = vector.shape_cast %select_n3A_224 : vector<16xf32> to vector<1x16xf32>
    tpu.vector_store %arg6[%swap3A_226, %swap3A_227], %swap3A_230 {strides = array<i32>} : memref<6x32xf32, #tpu.memory_space<vmem>>, vector<1x16xf32>,
    %add3A_231 = arith.constant 0 : i32
    %add3A_232 = arith.addi %add3A_231, %mul3A_2 : i32
    %add3A_233 = arith.constant 16 : i32
    %add3A_234 = arith.addi %add3A_232, %add3A_233 : i32
    %get3A_235 = arith.index_cast %add3A_234 : i32 to index
    %get3A_236 = tpu.vector_load %arg5[%get3A_235] {strides = array<i32>} : memref<7168xf32, #tpu.memory_space<vmem>>, vector<16xf32>,
    %get3A_237 = vector.shape_cast %get3A_236 : vector<16xf32> to vector<16xf32>
    %add3A_238 = arith.constant 1024 : i32
    %add3A_239 = arith.addi %add3A_238, %mul3A_2 : i32
    %add3A_240 = arith.constant 16 : i32
    %add3A_241 = arith.addi %add3A_239, %add3A_240 : i32
    %get3A_242 = arith.index_cast %add3A_241 : i32 to index
    %get3A_243 = tpu.vector_load %arg5[%get3A_242] {strides = array<i32>} : memref<7168xf32, #tpu.memory_space<vmem>>, vector<16xf32>,
    %get3A_244 = vector.shape_cast %get3A_243 : vector<16xf32> to vector<16xf32>
    %add3A_245 = arith.constant 2048 : i32
    %add3A_246 = arith.addi %add3A_245, %mul3A_2 : i32
    %add3A_247 = arith.constant 16 : i32
    %add3A_248 = arith.addi %add3A_246, %add3A_247 : i32
    %get3A_249 = arith.index_cast %add3A_248 : i32 to index
    %get3A_250 = tpu.vector_load %arg5[%get3A_249] {strides = array<i32>} : memref<7168xf32, #tpu.memory_space<vmem>>, vector<16xf32>,
    %get3A_251 = vector.shape_cast %get3A_250 : vector<16xf32> to vector<16xf32>
    %add3A_252 = arith.constant 3072 : i32
    %add3A_253 = arith.addi %add3A_252, %mul3A_2 : i32
    %add3A_254 = arith.constant 16 : i32
    %add3A_255 = arith.addi %add3A_253, %add3A_254 : i32
    %get3A_256 = arith.index_cast %add3A_255 : i32 to index
    %get3A_257 = tpu.vector_load %arg5[%get3A_256] {strides = array<i32>} : memref<7168xf32, #tpu.memory_space<vmem>>, vector<16xf32>,
    %get3A_258 = vector.shape_cast %get3A_257 : vector<16xf32> to vector<16xf32>
    %add3A_259 = arith.constant 4096 : i32
    %add3A_260 = arith.addi %add3A_259, %mul3A_2 : i32
    %add3A_261 = arith.constant 16 : i32
    %add3A_262 = arith.addi %add3A_260, %add3A_261 : i32
    %get3A_263 = arith.index_cast %add3A_262 : i32 to index
    %get3A_264 = tpu.vector_load %arg5[%get3A_263] {strides = array<i32>} : memref<7168xf32, #tpu.memory_space<vmem>>, vector<16xf32>,
    %get3A_265 = vector.shape_cast %get3A_264 : vector<16xf32> to vector<16xf32>
    %add3A_266 = arith.constant 5120 : i32
    %add3A_267 = arith.addi %add3A_266, %mul3A_2 : i32
    %add3A_268 = arith.constant 16 : i32
    %add3A_269 = arith.addi %add3A_267, %add3A_268 : i32
    %get3A_270 = arith.index_cast %add3A_269 : i32 to index
    %get3A_271 = tpu.vector_load %arg5[%get3A_270] {strides = array<i32>} : memref<7168xf32, #tpu.memory_space<vmem>>, vector<16xf32>,
    %get3A_272 = vector.shape_cast %get3A_271 : vector<16xf32> to vector<16xf32>
    %add3A_273 = arith.constant 6144 : i32
    %add3A_274 = arith.addi %add3A_273, %mul3A_2 : i32
    %add3A_275 = arith.constant 16 : i32
    %add3A_276 = arith.addi %add3A_274, %add3A_275 : i32
    %get3A_277 = arith.index_cast %add3A_276 : i32 to index
    %get3A_278 = tpu.vector_load %arg5[%get3A_277] {strides = array<i32>} : memref<7168xf32, #tpu.memory_space<vmem>>, vector<16xf32>,
    %get3A_279 = vector.shape_cast %get3A_278 : vector<16xf32> to vector<16xf32>
    %broadcast_in_dim3A_280 = arith.constant 0 : i32
    %broadcast_in_dim3A_281 = vector.broadcast %broadcast_in_dim3A_280 : i32 to vector<16xi32>
    %gt3A_282 = arith.cmpf ogt, %get3A_244, %get3A_237 : vector<16xf32>
    %select_n3A_283 = arith.select %gt3A_282, %get3A_244, %get3A_237 : vector<16xi1>, vector<16xf32>
    %jit3A_284 = arith.constant 1 : i32
    %broadcast_in_dim3A_285 = vector.broadcast %jit3A_284 : i32 to vector<16xi32>
    %select_n3A_286 = arith.select %gt3A_282, %broadcast_in_dim3A_285, %broadcast_in_dim3A_281 : vector<16xi1>, vector<16xi32>
    %gt3A_287 = arith.cmpf ogt, %get3A_251, %select_n3A_283 : vector<16xf32>
    %select_n3A_288 = arith.select %gt3A_287, %get3A_251, %select_n3A_283 : vector<16xi1>, vector<16xf32>
    %jit3A_289 = arith.constant 2 : i32
    %broadcast_in_dim3A_290 = vector.broadcast %jit3A_289 : i32 to vector<16xi32>
    %select_n3A_291 = arith.select %gt3A_287, %broadcast_in_dim3A_290, %select_n3A_286 : vector<16xi1>, vector<16xi32>
    %gt3A_292 = arith.cmpf ogt, %get3A_258, %select_n3A_288 : vector<16xf32>
    %select_n3A_293 = arith.select %gt3A_292, %get3A_258, %select_n3A_288 : vector<16xi1>, vector<16xf32>
    %jit3A_294 = arith.constant 3 : i32
    %broadcast_in_dim3A_295 = vector.broadcast %jit3A_294 : i32 to vector<16xi32>
    %select_n3A_296 = arith.select %gt3A_292, %broadcast_in_dim3A_295, %select_n3A_291 : vector<16xi1>, vector<16xi32>
    %gt3A_297 = arith.cmpf ogt, %get3A_265, %select_n3A_293 : vector<16xf32>
    %select_n3A_298 = arith.select %gt3A_297, %get3A_265, %select_n3A_293 : vector<16xi1>, vector<16xf32>
    %jit3A_299 = arith.constant 4 : i32
    %broadcast_in_dim3A_300 = vector.broadcast %jit3A_299 : i32 to vector<16xi32>
    %select_n3A_301 = arith.select %gt3A_297, %broadcast_in_dim3A_300, %select_n3A_296 : vector<16xi1>, vector<16xi32>
    %gt3A_302 = arith.cmpf ogt, %get3A_272, %select_n3A_298 : vector<16xf32>
    %select_n3A_303 = arith.select %gt3A_302, %get3A_272, %select_n3A_298 : vector<16xi1>, vector<16xf32>
    %jit3A_304 = arith.constant 5 : i32
    %broadcast_in_dim3A_305 = vector.broadcast %jit3A_304 : i32 to vector<16xi32>
    %select_n3A_306 = arith.select %gt3A_302, %broadcast_in_dim3A_305, %select_n3A_301 : vector<16xi1>, vector<16xi32>
    %gt3A_307 = arith.cmpf ogt, %get3A_279, %select_n3A_303 : vector<16xf32>
    %select_n3A_308 = arith.select %gt3A_307, %get3A_279, %select_n3A_303 : vector<16xi1>, vector<16xf32>
    %jit3A_309 = arith.constant 6 : i32
    %broadcast_in_dim3A_310 = vector.broadcast %jit3A_309 : i32 to vector<16xi32>
    %select_n3A_311 = arith.select %gt3A_307, %broadcast_in_dim3A_310, %select_n3A_306 : vector<16xi1>, vector<16xi32>
    %max3A_312 = arith.maximumf %get3A_237, %get3A_244 : vector<16xf32>
    %max3A_313 = arith.maximumf %max3A_312, %get3A_251 : vector<16xf32>
    %max3A_314 = arith.maximumf %max3A_313, %get3A_258 : vector<16xf32>
    %max3A_315 = arith.maximumf %max3A_314, %get3A_265 : vector<16xf32>
    %max3A_316 = arith.maximumf %max3A_315, %get3A_272 : vector<16xf32>
    %max3A_317 = arith.maximumf %max3A_316, %get3A_279 : vector<16xf32>
    %sub3A_318 = arith.subf %get3A_237, %max3A_317 : vector<16xf32>
    %exp3A_319 = math.exp %sub3A_318 : vector<16xf32>
    %sub3A_320 = arith.subf %get3A_244, %max3A_317 : vector<16xf32>
    %exp3A_321 = math.exp %sub3A_320 : vector<16xf32>
    %sub3A_322 = arith.subf %get3A_251, %max3A_317 : vector<16xf32>
    %exp3A_323 = math.exp %sub3A_322 : vector<16xf32>
    %sub3A_324 = arith.subf %get3A_258, %max3A_317 : vector<16xf32>
    %exp3A_325 = math.exp %sub3A_324 : vector<16xf32>
    %sub3A_326 = arith.subf %get3A_265, %max3A_317 : vector<16xf32>
    %exp3A_327 = math.exp %sub3A_326 : vector<16xf32>
    %sub3A_328 = arith.subf %get3A_272, %max3A_317 : vector<16xf32>
    %exp3A_329 = math.exp %sub3A_328 : vector<16xf32>
    %sub3A_330 = arith.subf %get3A_279, %max3A_317 : vector<16xf32>
    %exp3A_331 = math.exp %sub3A_330 : vector<16xf32>
    %add3A_332 = arith.addf %exp3A_319, %exp3A_321 : vector<16xf32>
    %add3A_333 = arith.addf %add3A_332, %exp3A_323 : vector<16xf32>
    %add3A_334 = arith.addf %add3A_333, %exp3A_325 : vector<16xf32>
    %add3A_335 = arith.addf %add3A_334, %exp3A_327 : vector<16xf32>
    %add3A_336 = arith.addf %add3A_335, %exp3A_329 : vector<16xf32>
    %add3A_337 = arith.addf %add3A_336, %exp3A_331 : vector<16xf32>
    %div3A_338 = arith.divf %exp3A_319, %add3A_337 : vector<16xf32>
    %div3A_339 = arith.divf %exp3A_321, %add3A_337 : vector<16xf32>
    %div3A_340 = arith.divf %exp3A_323, %add3A_337 : vector<16xf32>
    %div3A_341 = arith.divf %exp3A_325, %add3A_337 : vector<16xf32>
    %div3A_342 = arith.divf %exp3A_327, %add3A_337 : vector<16xf32>
    %div3A_343 = arith.divf %exp3A_329, %add3A_337 : vector<16xf32>
    %div3A_344 = arith.divf %exp3A_331, %add3A_337 : vector<16xf32>
    %swap3A_345 = arith.constant 5 : i32
    %swap3A_346 = arith.index_cast %swap3A_345 : i32 to index
    %swap3A_347 = arith.constant 16 : index
    %swap3A_348 = tpu.vector_load %arg7[%swap3A_346, %swap3A_347] {strides = array<i32>} : memref<6x32xf32, #tpu.memory_space<vmem>>, vector<1x16xf32>,
    %swap3A_349 = vector.shape_cast %swap3A_348 : vector<1x16xf32> to vector<16xf32>
    %swap3A_350 = vector.shape_cast %div3A_344 : vector<16xf32> to vector<1x16xf32>
    tpu.vector_store %arg7[%swap3A_346, %swap3A_347], %swap3A_350 {strides = array<i32>} : memref<6x32xf32, #tpu.memory_space<vmem>>, vector<1x16xf32>,
    %add3A_351 = arith.addf %div3A_344, %div3A_343 : vector<16xf32>
    %swap3A_352 = arith.constant 4 : i32
    %swap3A_353 = arith.index_cast %swap3A_352 : i32 to index
    %swap3A_354 = arith.constant 16 : index
    %swap3A_355 = tpu.vector_load %arg7[%swap3A_353, %swap3A_354] {strides = array<i32>} : memref<6x32xf32, #tpu.memory_space<vmem>>, vector<1x16xf32>,
    %swap3A_356 = vector.shape_cast %swap3A_355 : vector<1x16xf32> to vector<16xf32>
    %swap3A_357 = vector.shape_cast %add3A_351 : vector<16xf32> to vector<1x16xf32>
    tpu.vector_store %arg7[%swap3A_353, %swap3A_354], %swap3A_357 {strides = array<i32>} : memref<6x32xf32, #tpu.memory_space<vmem>>, vector<1x16xf32>,
    %add3A_358 = arith.addf %add3A_351, %div3A_342 : vector<16xf32>
    %swap3A_359 = arith.constant 3 : i32
    %swap3A_360 = arith.index_cast %swap3A_359 : i32 to index
    %swap3A_361 = arith.constant 16 : index
    %swap3A_362 = tpu.vector_load %arg7[%swap3A_360, %swap3A_361] {strides = array<i32>} : memref<6x32xf32, #tpu.memory_space<vmem>>, vector<1x16xf32>,
    %swap3A_363 = vector.shape_cast %swap3A_362 : vector<1x16xf32> to vector<16xf32>
    %swap3A_364 = vector.shape_cast %add3A_358 : vector<16xf32> to vector<1x16xf32>
    tpu.vector_store %arg7[%swap3A_360, %swap3A_361], %swap3A_364 {strides = array<i32>} : memref<6x32xf32, #tpu.memory_space<vmem>>, vector<1x16xf32>,
    %add3A_365 = arith.addf %add3A_358, %div3A_341 : vector<16xf32>
    %swap3A_366 = arith.constant 2 : i32
    %swap3A_367 = arith.index_cast %swap3A_366 : i32 to index
    %swap3A_368 = arith.constant 16 : index
    %swap3A_369 = tpu.vector_load %arg7[%swap3A_367, %swap3A_368] {strides = array<i32>} : memref<6x32xf32, #tpu.memory_space<vmem>>, vector<1x16xf32>,
    %swap3A_370 = vector.shape_cast %swap3A_369 : vector<1x16xf32> to vector<16xf32>
    %swap3A_371 = vector.shape_cast %add3A_365 : vector<16xf32> to vector<1x16xf32>
    tpu.vector_store %arg7[%swap3A_367, %swap3A_368], %swap3A_371 {strides = array<i32>} : memref<6x32xf32, #tpu.memory_space<vmem>>, vector<1x16xf32>,
    %add3A_372 = arith.addf %add3A_365, %div3A_340 : vector<16xf32>
    %swap3A_373 = arith.constant 1 : i32
    %swap3A_374 = arith.index_cast %swap3A_373 : i32 to index
    %swap3A_375 = arith.constant 16 : index
    %swap3A_376 = tpu.vector_load %arg7[%swap3A_374, %swap3A_375] {strides = array<i32>} : memref<6x32xf32, #tpu.memory_space<vmem>>, vector<1x16xf32>,
    %swap3A_377 = vector.shape_cast %swap3A_376 : vector<1x16xf32> to vector<16xf32>
    %swap3A_378 = vector.shape_cast %add3A_372 : vector<16xf32> to vector<1x16xf32>
    tpu.vector_store %arg7[%swap3A_374, %swap3A_375], %swap3A_378 {strides = array<i32>} : memref<6x32xf32, #tpu.memory_space<vmem>>, vector<1x16xf32>,
    %add3A_379 = arith.addf %add3A_372, %div3A_339 : vector<16xf32>
    %swap3A_380 = arith.constant 0 : i32
    %swap3A_381 = arith.index_cast %swap3A_380 : i32 to index
    %swap3A_382 = arith.constant 16 : index
    %swap3A_383 = tpu.vector_load %arg7[%swap3A_381, %swap3A_382] {strides = array<i32>} : memref<6x32xf32, #tpu.memory_space<vmem>>, vector<1x16xf32>,
    %swap3A_384 = vector.shape_cast %swap3A_383 : vector<1x16xf32> to vector<16xf32>
    %swap3A_385 = vector.shape_cast %add3A_379 : vector<16xf32> to vector<1x16xf32>
    tpu.vector_store %arg7[%swap3A_381, %swap3A_382], %swap3A_385 {strides = array<i32>} : memref<6x32xf32, #tpu.memory_space<vmem>>, vector<1x16xf32>,
    %ge3A_386 = arith.constant 1 : i32
    %ge3A_387 = vector.broadcast %ge3A_386 : i32 to vector<16xi32>
    %ge3A_388 = arith.cmpi sge, %select_n3A_311, %ge3A_387 : vector<16xi32>
    %jit3A_389 = arith.constant 1.000000e+00 : f32
    %jit3A_390 = arith.constant 0.000000e+00 : f32
    %broadcast_in_dim3A_391 = vector.broadcast %jit3A_389 : f32 to vector<16xf32>
    %broadcast_in_dim3A_392 = vector.broadcast %jit3A_390 : f32 to vector<16xf32>
    %select_n3A_393 = arith.select %ge3A_388, %broadcast_in_dim3A_391, %broadcast_in_dim3A_392 : vector<16xi1>, vector<16xf32>
    %swap3A_394 = arith.constant 0 : i32
    %swap3A_395 = arith.index_cast %swap3A_394 : i32 to index
    %swap3A_396 = arith.constant 16 : index
    %swap3A_397 = tpu.vector_load %arg6[%swap3A_395, %swap3A_396] {strides = array<i32>} : memref<6x32xf32, #tpu.memory_space<vmem>>, vector<1x16xf32>,
    %swap3A_398 = vector.shape_cast %swap3A_397 : vector<1x16xf32> to vector<16xf32>
    %swap3A_399 = vector.shape_cast %select_n3A_393 : vector<16xf32> to vector<1x16xf32>
    tpu.vector_store %arg6[%swap3A_395, %swap3A_396], %swap3A_399 {strides = array<i32>} : memref<6x32xf32, #tpu.memory_space<vmem>>, vector<1x16xf32>,
    %ge3A_400 = arith.constant 2 : i32
    %ge3A_401 = vector.broadcast %ge3A_400 : i32 to vector<16xi32>
    %ge3A_402 = arith.cmpi sge, %select_n3A_311, %ge3A_401 : vector<16xi32>
    %jit3A_403 = arith.constant 1.000000e+00 : f32
    %jit3A_404 = arith.constant 0.000000e+00 : f32
    %broadcast_in_dim3A_405 = vector.broadcast %jit3A_403 : f32 to vector<16xf32>
    %broadcast_in_dim3A_406 = vector.broadcast %jit3A_404 : f32 to vector<16xf32>
    %select_n3A_407 = arith.select %ge3A_402, %broadcast_in_dim3A_405, %broadcast_in_dim3A_406 : vector<16xi1>, vector<16xf32>
    %swap3A_408 = arith.constant 1 : i32
    %swap3A_409 = arith.index_cast %swap3A_408 : i32 to index
    %swap3A_410 = arith.constant 16 : index
    %swap3A_411 = tpu.vector_load %arg6[%swap3A_409, %swap3A_410] {strides = array<i32>} : memref<6x32xf32, #tpu.memory_space<vmem>>, vector<1x16xf32>,
    %swap3A_412 = vector.shape_cast %swap3A_411 : vector<1x16xf32> to vector<16xf32>
    %swap3A_413 = vector.shape_cast %select_n3A_407 : vector<16xf32> to vector<1x16xf32>
    tpu.vector_store %arg6[%swap3A_409, %swap3A_410], %swap3A_413 {strides = array<i32>} : memref<6x32xf32, #tpu.memory_space<vmem>>, vector<1x16xf32>,
    %ge3A_414 = arith.constant 3 : i32
    %ge3A_415 = vector.broadcast %ge3A_414 : i32 to vector<16xi32>
    %ge3A_416 = arith.cmpi sge, %select_n3A_311, %ge3A_415 : vector<16xi32>
    %jit3A_417 = arith.constant 1.000000e+00 : f32
    %jit3A_418 = arith.constant 0.000000e+00 : f32
    %broadcast_in_dim3A_419 = vector.broadcast %jit3A_417 : f32 to vector<16xf32>
    %broadcast_in_dim3A_420 = vector.broadcast %jit3A_418 : f32 to vector<16xf32>
    %select_n3A_421 = arith.select %ge3A_416, %broadcast_in_dim3A_419, %broadcast_in_dim3A_420 : vector<16xi1>, vector<16xf32>
    %swap3A_422 = arith.constant 2 : i32
    %swap3A_423 = arith.index_cast %swap3A_422 : i32 to index
    %swap3A_424 = arith.constant 16 : index
    %swap3A_425 = tpu.vector_load %arg6[%swap3A_423, %swap3A_424] {strides = array<i32>} : memref<6x32xf32, #tpu.memory_space<vmem>>, vector<1x16xf32>,
    %swap3A_426 = vector.shape_cast %swap3A_425 : vector<1x16xf32> to vector<16xf32>
    %swap3A_427 = vector.shape_cast %select_n3A_421 : vector<16xf32> to vector<1x16xf32>
    tpu.vector_store %arg6[%swap3A_423, %swap3A_424], %swap3A_427 {strides = array<i32>} : memref<6x32xf32, #tpu.memory_space<vmem>>, vector<1x16xf32>,
    %ge3A_428 = arith.constant 4 : i32
    %ge3A_429 = vector.broadcast %ge3A_428 : i32 to vector<16xi32>
    %ge3A_430 = arith.cmpi sge, %select_n3A_311, %ge3A_429 : vector<16xi32>
    %jit3A_431 = arith.constant 1.000000e+00 : f32
    %jit3A_432 = arith.constant 0.000000e+00 : f32
    %broadcast_in_dim3A_433 = vector.broadcast %jit3A_431 : f32 to vector<16xf32>
    %broadcast_in_dim3A_434 = vector.broadcast %jit3A_432 : f32 to vector<16xf32>
    %select_n3A_435 = arith.select %ge3A_430, %broadcast_in_dim3A_433, %broadcast_in_dim3A_434 : vector<16xi1>, vector<16xf32>
    %swap3A_436 = arith.constant 3 : i32
    %swap3A_437 = arith.index_cast %swap3A_436 : i32 to index
    %swap3A_438 = arith.constant 16 : index
    %swap3A_439 = tpu.vector_load %arg6[%swap3A_437, %swap3A_438] {strides = array<i32>} : memref<6x32xf32, #tpu.memory_space<vmem>>, vector<1x16xf32>,
    %swap3A_440 = vector.shape_cast %swap3A_439 : vector<1x16xf32> to vector<16xf32>
    %swap3A_441 = vector.shape_cast %select_n3A_435 : vector<16xf32> to vector<1x16xf32>
    tpu.vector_store %arg6[%swap3A_437, %swap3A_438], %swap3A_441 {strides = array<i32>} : memref<6x32xf32, #tpu.memory_space<vmem>>, vector<1x16xf32>,
    %ge3A_442 = arith.constant 5 : i32
    %ge3A_443 = vector.broadcast %ge3A_442 : i32 to vector<16xi32>
    %ge3A_444 = arith.cmpi sge, %select_n3A_311, %ge3A_443 : vector<16xi32>
    %jit3A_445 = arith.constant 1.000000e+00 : f32
    %jit3A_446 = arith.constant 0.000000e+00 : f32
    %broadcast_in_dim3A_447 = vector.broadcast %jit3A_445 : f32 to vector<16xf32>
    %broadcast_in_dim3A_448 = vector.broadcast %jit3A_446 : f32 to vector<16xf32>
    %select_n3A_449 = arith.select %ge3A_444, %broadcast_in_dim3A_447, %broadcast_in_dim3A_448 : vector<16xi1>, vector<16xf32>
    %swap3A_450 = arith.constant 4 : i32
    %swap3A_451 = arith.index_cast %swap3A_450 : i32 to index
    %swap3A_452 = arith.constant 16 : index
    %swap3A_453 = tpu.vector_load %arg6[%swap3A_451, %swap3A_452] {strides = array<i32>} : memref<6x32xf32, #tpu.memory_space<vmem>>, vector<1x16xf32>,
    %swap3A_454 = vector.shape_cast %swap3A_453 : vector<1x16xf32> to vector<16xf32>
    %swap3A_455 = vector.shape_cast %select_n3A_449 : vector<16xf32> to vector<1x16xf32>
    tpu.vector_store %arg6[%swap3A_451, %swap3A_452], %swap3A_455 {strides = array<i32>} : memref<6x32xf32, #tpu.memory_space<vmem>>, vector<1x16xf32>,
    %ge3A_456 = arith.constant 6 : i32
    %ge3A_457 = vector.broadcast %ge3A_456 : i32 to vector<16xi32>
    %ge3A_458 = arith.cmpi sge, %select_n3A_311, %ge3A_457 : vector<16xi32>
    %jit3A_459 = arith.constant 1.000000e+00 : f32
    %jit3A_460 = arith.constant 0.000000e+00 : f32
    %broadcast_in_dim3A_461 = vector.broadcast %jit3A_459 : f32 to vector<16xf32>
    %broadcast_in_dim3A_462 = vector.broadcast %jit3A_460 : f32 to vector<16xf32>
    %select_n3A_463 = arith.select %ge3A_458, %broadcast_in_dim3A_461, %broadcast_in_dim3A_462 : vector<16xi1>, vector<16xf32>
    %swap3A_464 = arith.constant 5 : i32
    %swap3A_465 = arith.index_cast %swap3A_464 : i32 to index
    %swap3A_466 = arith.constant 16 : index
    %swap3A_467 = tpu.vector_load %arg6[%swap3A_465, %swap3A_466] {strides = array<i32>} : memref<6x32xf32, #tpu.memory_space<vmem>>, vector<1x16xf32>,
    %swap3A_468 = vector.shape_cast %swap3A_467 : vector<1x16xf32> to vector<16xf32>
    %swap3A_469 = vector.shape_cast %select_n3A_463 : vector<16xf32> to vector<1x16xf32>
    tpu.vector_store %arg6[%swap3A_465, %swap3A_466], %swap3A_469 {strides = array<i32>} : memref<6x32xf32, #tpu.memory_space<vmem>>, vector<1x16xf32>,
    %dma_start3A = arith.constant 0 : i32
    %dma_start3A_470 = arith.constant 0 : i32
    %dma_start3A_471 = arith.constant 0 : i32
    %dma_start3A_472 = tpu.memref_slice %arg6[%dma_start3A, %dma_start3A_471] : memref<6x32xf32, #tpu.memory_space<vmem>> -> memref<1x32xf32, #tpu.memory_space<vmem>>
    %dma_start3A_473 = tpu.memref_squeeze %dma_start3A_472 : memref<1x32xf32, #tpu.memory_space<vmem>> -> memref<32xf32, #tpu.memory_space<vmem>>
    %dma_start3A_474 = tpu.memref_slice %arg3[%dma_start3A_470, %mul3A_2] : memref<6x1024xf32, #tpu.memory_space<hbm>> -> memref<1x32xf32, #tpu.memory_space<hbm>>
    %dma_start3A_475 = tpu.memref_squeeze %dma_start3A_474 : memref<1x32xf32, #tpu.memory_space<hbm>> -> memref<32xf32, #tpu.memory_space<hbm>>
    %dma_start3A_476 = tpu.memref_slice %arg3[%dma_start3A_470, %mul3A_2] : memref<6x1024xf32, #tpu.memory_space<hbm>> -> memref<1x32xf32, #tpu.memory_space<hbm>>
    %dma_start3A_477 = tpu.memref_squeeze %dma_start3A_476 : memref<1x32xf32, #tpu.memory_space<hbm>> -> memref<32xf32, #tpu.memory_space<hbm>>
    %dma_start3A_478 = arith.constant 0 : i32
    %dma_start3A_479 = tpu.memref_slice %arg6[%dma_start3A, %dma_start3A_478] : memref<6x32xf32, #tpu.memory_space<vmem>> -> memref<1x32xf32, #tpu.memory_space<vmem>>
    %dma_start3A_480 = tpu.memref_squeeze %dma_start3A_479 : memref<1x32xf32, #tpu.memory_space<vmem>> -> memref<32xf32, #tpu.memory_space<vmem>>
    tpu.enqueue_dma source(%dma_start3A_480 : memref<32xf32, #tpu.memory_space<vmem>>) target(%dma_start3A_477 : memref<32xf32, #tpu.memory_space<hbm>>) target_semaphore(%arg8 : memref<!tpu.dma_semaphore, #tpu.memory_space<semaphore_mem>>)
    %dma_start3A_481 = arith.constant 0 : i32
    %dma_start3A_482 = arith.constant 0 : i32
    %dma_start3A_483 = arith.constant 0 : i32
    %dma_start3A_484 = tpu.memref_slice %arg7[%dma_start3A_481, %dma_start3A_483] : memref<6x32xf32, #tpu.memory_space<vmem>> -> memref<1x32xf32, #tpu.memory_space<vmem>>
    %dma_start3A_485 = tpu.memref_squeeze %dma_start3A_484 : memref<1x32xf32, #tpu.memory_space<vmem>> -> memref<32xf32, #tpu.memory_space<vmem>>
    %dma_start3A_486 = tpu.memref_slice %arg4[%dma_start3A_482, %mul3A_2] : memref<6x1024xf32, #tpu.memory_space<hbm>> -> memref<1x32xf32, #tpu.memory_space<hbm>>
    %dma_start3A_487 = tpu.memref_squeeze %dma_start3A_486 : memref<1x32xf32, #tpu.memory_space<hbm>> -> memref<32xf32, #tpu.memory_space<hbm>>
    %dma_start3A_488 = tpu.memref_slice %arg4[%dma_start3A_482, %mul3A_2] : memref<6x1024xf32, #tpu.memory_space<hbm>> -> memref<1x32xf32, #tpu.memory_space<hbm>>
    %dma_start3A_489 = tpu.memref_squeeze %dma_start3A_488 : memref<1x32xf32, #tpu.memory_space<hbm>> -> memref<32xf32, #tpu.memory_space<hbm>>
    %dma_start3A_490 = arith.constant 0 : i32
    %dma_start3A_491 = tpu.memref_slice %arg7[%dma_start3A_481, %dma_start3A_490] : memref<6x32xf32, #tpu.memory_space<vmem>> -> memref<1x32xf32, #tpu.memory_space<vmem>>
    %dma_start3A_492 = tpu.memref_squeeze %dma_start3A_491 : memref<1x32xf32, #tpu.memory_space<vmem>> -> memref<32xf32, #tpu.memory_space<vmem>>
    tpu.enqueue_dma source(%dma_start3A_492 : memref<32xf32, #tpu.memory_space<vmem>>) target(%dma_start3A_489 : memref<32xf32, #tpu.memory_space<hbm>>) target_semaphore(%arg8 : memref<!tpu.dma_semaphore, #tpu.memory_space<semaphore_mem>>)
    %dma_start3A_493 = arith.constant 1 : i32
    %dma_start3A_494 = arith.constant 1 : i32
    %dma_start3A_495 = arith.constant 0 : i32
    %dma_start3A_496 = tpu.memref_slice %arg6[%dma_start3A_493, %dma_start3A_495] : memref<6x32xf32, #tpu.memory_space<vmem>> -> memref<1x32xf32, #tpu.memory_space<vmem>>
    %dma_start3A_497 = tpu.memref_squeeze %dma_start3A_496 : memref<1x32xf32, #tpu.memory_space<vmem>> -> memref<32xf32, #tpu.memory_space<vmem>>
    %dma_start3A_498 = tpu.memref_slice %arg3[%dma_start3A_494, %mul3A_2] : memref<6x1024xf32, #tpu.memory_space<hbm>> -> memref<1x32xf32, #tpu.memory_space<hbm>>
    %dma_start3A_499 = tpu.memref_squeeze %dma_start3A_498 : memref<1x32xf32, #tpu.memory_space<hbm>> -> memref<32xf32, #tpu.memory_space<hbm>>
    %dma_start3A_500 = tpu.memref_slice %arg3[%dma_start3A_494, %mul3A_2] : memref<6x1024xf32, #tpu.memory_space<hbm>> -> memref<1x32xf32, #tpu.memory_space<hbm>>
    %dma_start3A_501 = tpu.memref_squeeze %dma_start3A_500 : memref<1x32xf32, #tpu.memory_space<hbm>> -> memref<32xf32, #tpu.memory_space<hbm>>
    %dma_start3A_502 = arith.constant 0 : i32
    %dma_start3A_503 = tpu.memref_slice %arg6[%dma_start3A_493, %dma_start3A_502] : memref<6x32xf32, #tpu.memory_space<vmem>> -> memref<1x32xf32, #tpu.memory_space<vmem>>
    %dma_start3A_504 = tpu.memref_squeeze %dma_start3A_503 : memref<1x32xf32, #tpu.memory_space<vmem>> -> memref<32xf32, #tpu.memory_space<vmem>>
    tpu.enqueue_dma source(%dma_start3A_504 : memref<32xf32, #tpu.memory_space<vmem>>) target(%dma_start3A_501 : memref<32xf32, #tpu.memory_space<hbm>>) target_semaphore(%arg8 : memref<!tpu.dma_semaphore, #tpu.memory_space<semaphore_mem>>)
    %dma_start3A_505 = arith.constant 1 : i32
    %dma_start3A_506 = arith.constant 1 : i32
    %dma_start3A_507 = arith.constant 0 : i32
    %dma_start3A_508 = tpu.memref_slice %arg7[%dma_start3A_505, %dma_start3A_507] : memref<6x32xf32, #tpu.memory_space<vmem>> -> memref<1x32xf32, #tpu.memory_space<vmem>>
    %dma_start3A_509 = tpu.memref_squeeze %dma_start3A_508 : memref<1x32xf32, #tpu.memory_space<vmem>> -> memref<32xf32, #tpu.memory_space<vmem>>
    %dma_start3A_510 = tpu.memref_slice %arg4[%dma_start3A_506, %mul3A_2] : memref<6x1024xf32, #tpu.memory_space<hbm>> -> memref<1x32xf32, #tpu.memory_space<hbm>>
    %dma_start3A_511 = tpu.memref_squeeze %dma_start3A_510 : memref<1x32xf32, #tpu.memory_space<hbm>> -> memref<32xf32, #tpu.memory_space<hbm>>
    %dma_start3A_512 = tpu.memref_slice %arg4[%dma_start3A_506, %mul3A_2] : memref<6x1024xf32, #tpu.memory_space<hbm>> -> memref<1x32xf32, #tpu.memory_space<hbm>>
    %dma_start3A_513 = tpu.memref_squeeze %dma_start3A_512 : memref<1x32xf32, #tpu.memory_space<hbm>> -> memref<32xf32, #tpu.memory_space<hbm>>
    %dma_start3A_514 = arith.constant 0 : i32
    %dma_start3A_515 = tpu.memref_slice %arg7[%dma_start3A_505, %dma_start3A_514] : memref<6x32xf32, #tpu.memory_space<vmem>> -> memref<1x32xf32, #tpu.memory_space<vmem>>
    %dma_start3A_516 = tpu.memref_squeeze %dma_start3A_515 : memref<1x32xf32, #tpu.memory_space<vmem>> -> memref<32xf32, #tpu.memory_space<vmem>>
    tpu.enqueue_dma source(%dma_start3A_516 : memref<32xf32, #tpu.memory_space<vmem>>) target(%dma_start3A_513 : memref<32xf32, #tpu.memory_space<hbm>>) target_semaphore(%arg8 : memref<!tpu.dma_semaphore, #tpu.memory_space<semaphore_mem>>)
    %dma_start3A_517 = arith.constant 2 : i32
    %dma_start3A_518 = arith.constant 2 : i32
    %dma_start3A_519 = arith.constant 0 : i32
    %dma_start3A_520 = tpu.memref_slice %arg6[%dma_start3A_517, %dma_start3A_519] : memref<6x32xf32, #tpu.memory_space<vmem>> -> memref<1x32xf32, #tpu.memory_space<vmem>>
    %dma_start3A_521 = tpu.memref_squeeze %dma_start3A_520 : memref<1x32xf32, #tpu.memory_space<vmem>> -> memref<32xf32, #tpu.memory_space<vmem>>
    %dma_start3A_522 = tpu.memref_slice %arg3[%dma_start3A_518, %mul3A_2] : memref<6x1024xf32, #tpu.memory_space<hbm>> -> memref<1x32xf32, #tpu.memory_space<hbm>>
    %dma_start3A_523 = tpu.memref_squeeze %dma_start3A_522 : memref<1x32xf32, #tpu.memory_space<hbm>> -> memref<32xf32, #tpu.memory_space<hbm>>
    %dma_start3A_524 = tpu.memref_slice %arg3[%dma_start3A_518, %mul3A_2] : memref<6x1024xf32, #tpu.memory_space<hbm>> -> memref<1x32xf32, #tpu.memory_space<hbm>>
    %dma_start3A_525 = tpu.memref_squeeze %dma_start3A_524 : memref<1x32xf32, #tpu.memory_space<hbm>> -> memref<32xf32, #tpu.memory_space<hbm>>
    %dma_start3A_526 = arith.constant 0 : i32
    %dma_start3A_527 = tpu.memref_slice %arg6[%dma_start3A_517, %dma_start3A_526] : memref<6x32xf32, #tpu.memory_space<vmem>> -> memref<1x32xf32, #tpu.memory_space<vmem>>
    %dma_start3A_528 = tpu.memref_squeeze %dma_start3A_527 : memref<1x32xf32, #tpu.memory_space<vmem>> -> memref<32xf32, #tpu.memory_space<vmem>>
    tpu.enqueue_dma source(%dma_start3A_528 : memref<32xf32, #tpu.memory_space<vmem>>) target(%dma_start3A_525 : memref<32xf32, #tpu.memory_space<hbm>>) target_semaphore(%arg8 : memref<!tpu.dma_semaphore, #tpu.memory_space<semaphore_mem>>)
    %dma_start3A_529 = arith.constant 2 : i32
    %dma_start3A_530 = arith.constant 2 : i32
    %dma_start3A_531 = arith.constant 0 : i32
    %dma_start3A_532 = tpu.memref_slice %arg7[%dma_start3A_529, %dma_start3A_531] : memref<6x32xf32, #tpu.memory_space<vmem>> -> memref<1x32xf32, #tpu.memory_space<vmem>>
    %dma_start3A_533 = tpu.memref_squeeze %dma_start3A_532 : memref<1x32xf32, #tpu.memory_space<vmem>> -> memref<32xf32, #tpu.memory_space<vmem>>
    %dma_start3A_534 = tpu.memref_slice %arg4[%dma_start3A_530, %mul3A_2] : memref<6x1024xf32, #tpu.memory_space<hbm>> -> memref<1x32xf32, #tpu.memory_space<hbm>>
    %dma_start3A_535 = tpu.memref_squeeze %dma_start3A_534 : memref<1x32xf32, #tpu.memory_space<hbm>> -> memref<32xf32, #tpu.memory_space<hbm>>
    %dma_start3A_536 = tpu.memref_slice %arg4[%dma_start3A_530, %mul3A_2] : memref<6x1024xf32, #tpu.memory_space<hbm>> -> memref<1x32xf32, #tpu.memory_space<hbm>>
    %dma_start3A_537 = tpu.memref_squeeze %dma_start3A_536 : memref<1x32xf32, #tpu.memory_space<hbm>> -> memref<32xf32, #tpu.memory_space<hbm>>
    %dma_start3A_538 = arith.constant 0 : i32
    %dma_start3A_539 = tpu.memref_slice %arg7[%dma_start3A_529, %dma_start3A_538] : memref<6x32xf32, #tpu.memory_space<vmem>> -> memref<1x32xf32, #tpu.memory_space<vmem>>
    %dma_start3A_540 = tpu.memref_squeeze %dma_start3A_539 : memref<1x32xf32, #tpu.memory_space<vmem>> -> memref<32xf32, #tpu.memory_space<vmem>>
    tpu.enqueue_dma source(%dma_start3A_540 : memref<32xf32, #tpu.memory_space<vmem>>) target(%dma_start3A_537 : memref<32xf32, #tpu.memory_space<hbm>>) target_semaphore(%arg8 : memref<!tpu.dma_semaphore, #tpu.memory_space<semaphore_mem>>)
    %dma_start3A_541 = arith.constant 3 : i32
    %dma_start3A_542 = arith.constant 3 : i32
    %dma_start3A_543 = arith.constant 0 : i32
    %dma_start3A_544 = tpu.memref_slice %arg6[%dma_start3A_541, %dma_start3A_543] : memref<6x32xf32, #tpu.memory_space<vmem>> -> memref<1x32xf32, #tpu.memory_space<vmem>>
    %dma_start3A_545 = tpu.memref_squeeze %dma_start3A_544 : memref<1x32xf32, #tpu.memory_space<vmem>> -> memref<32xf32, #tpu.memory_space<vmem>>
    %dma_start3A_546 = tpu.memref_slice %arg3[%dma_start3A_542, %mul3A_2] : memref<6x1024xf32, #tpu.memory_space<hbm>> -> memref<1x32xf32, #tpu.memory_space<hbm>>
    %dma_start3A_547 = tpu.memref_squeeze %dma_start3A_546 : memref<1x32xf32, #tpu.memory_space<hbm>> -> memref<32xf32, #tpu.memory_space<hbm>>
    %dma_start3A_548 = tpu.memref_slice %arg3[%dma_start3A_542, %mul3A_2] : memref<6x1024xf32, #tpu.memory_space<hbm>> -> memref<1x32xf32, #tpu.memory_space<hbm>>
    %dma_start3A_549 = tpu.memref_squeeze %dma_start3A_548 : memref<1x32xf32, #tpu.memory_space<hbm>> -> memref<32xf32, #tpu.memory_space<hbm>>
    %dma_start3A_550 = arith.constant 0 : i32
    %dma_start3A_551 = tpu.memref_slice %arg6[%dma_start3A_541, %dma_start3A_550] : memref<6x32xf32, #tpu.memory_space<vmem>> -> memref<1x32xf32, #tpu.memory_space<vmem>>
    %dma_start3A_552 = tpu.memref_squeeze %dma_start3A_551 : memref<1x32xf32, #tpu.memory_space<vmem>> -> memref<32xf32, #tpu.memory_space<vmem>>
    tpu.enqueue_dma source(%dma_start3A_552 : memref<32xf32, #tpu.memory_space<vmem>>) target(%dma_start3A_549 : memref<32xf32, #tpu.memory_space<hbm>>) target_semaphore(%arg8 : memref<!tpu.dma_semaphore, #tpu.memory_space<semaphore_mem>>)
    %dma_start3A_553 = arith.constant 3 : i32
    %dma_start3A_554 = arith.constant 3 : i32
    %dma_start3A_555 = arith.constant 0 : i32
    %dma_start3A_556 = tpu.memref_slice %arg7[%dma_start3A_553, %dma_start3A_555] : memref<6x32xf32, #tpu.memory_space<vmem>> -> memref<1x32xf32, #tpu.memory_space<vmem>>
    %dma_start3A_557 = tpu.memref_squeeze %dma_start3A_556 : memref<1x32xf32, #tpu.memory_space<vmem>> -> memref<32xf32, #tpu.memory_space<vmem>>
    %dma_start3A_558 = tpu.memref_slice %arg4[%dma_start3A_554, %mul3A_2] : memref<6x1024xf32, #tpu.memory_space<hbm>> -> memref<1x32xf32, #tpu.memory_space<hbm>>
    %dma_start3A_559 = tpu.memref_squeeze %dma_start3A_558 : memref<1x32xf32, #tpu.memory_space<hbm>> -> memref<32xf32, #tpu.memory_space<hbm>>
    %dma_start3A_560 = tpu.memref_slice %arg4[%dma_start3A_554, %mul3A_2] : memref<6x1024xf32, #tpu.memory_space<hbm>> -> memref<1x32xf32, #tpu.memory_space<hbm>>
    %dma_start3A_561 = tpu.memref_squeeze %dma_start3A_560 : memref<1x32xf32, #tpu.memory_space<hbm>> -> memref<32xf32, #tpu.memory_space<hbm>>
    %dma_start3A_562 = arith.constant 0 : i32
    %dma_start3A_563 = tpu.memref_slice %arg7[%dma_start3A_553, %dma_start3A_562] : memref<6x32xf32, #tpu.memory_space<vmem>> -> memref<1x32xf32, #tpu.memory_space<vmem>>
    %dma_start3A_564 = tpu.memref_squeeze %dma_start3A_563 : memref<1x32xf32, #tpu.memory_space<vmem>> -> memref<32xf32, #tpu.memory_space<vmem>>
    tpu.enqueue_dma source(%dma_start3A_564 : memref<32xf32, #tpu.memory_space<vmem>>) target(%dma_start3A_561 : memref<32xf32, #tpu.memory_space<hbm>>) target_semaphore(%arg8 : memref<!tpu.dma_semaphore, #tpu.memory_space<semaphore_mem>>)
    %dma_start3A_565 = arith.constant 4 : i32
    %dma_start3A_566 = arith.constant 4 : i32
    %dma_start3A_567 = arith.constant 0 : i32
    %dma_start3A_568 = tpu.memref_slice %arg6[%dma_start3A_565, %dma_start3A_567] : memref<6x32xf32, #tpu.memory_space<vmem>> -> memref<1x32xf32, #tpu.memory_space<vmem>>
    %dma_start3A_569 = tpu.memref_squeeze %dma_start3A_568 : memref<1x32xf32, #tpu.memory_space<vmem>> -> memref<32xf32, #tpu.memory_space<vmem>>
    %dma_start3A_570 = tpu.memref_slice %arg3[%dma_start3A_566, %mul3A_2] : memref<6x1024xf32, #tpu.memory_space<hbm>> -> memref<1x32xf32, #tpu.memory_space<hbm>>
    %dma_start3A_571 = tpu.memref_squeeze %dma_start3A_570 : memref<1x32xf32, #tpu.memory_space<hbm>> -> memref<32xf32, #tpu.memory_space<hbm>>
    %dma_start3A_572 = tpu.memref_slice %arg3[%dma_start3A_566, %mul3A_2] : memref<6x1024xf32, #tpu.memory_space<hbm>> -> memref<1x32xf32, #tpu.memory_space<hbm>>
    %dma_start3A_573 = tpu.memref_squeeze %dma_start3A_572 : memref<1x32xf32, #tpu.memory_space<hbm>> -> memref<32xf32, #tpu.memory_space<hbm>>
    %dma_start3A_574 = arith.constant 0 : i32
    %dma_start3A_575 = tpu.memref_slice %arg6[%dma_start3A_565, %dma_start3A_574] : memref<6x32xf32, #tpu.memory_space<vmem>> -> memref<1x32xf32, #tpu.memory_space<vmem>>
    %dma_start3A_576 = tpu.memref_squeeze %dma_start3A_575 : memref<1x32xf32, #tpu.memory_space<vmem>> -> memref<32xf32, #tpu.memory_space<vmem>>
    tpu.enqueue_dma source(%dma_start3A_576 : memref<32xf32, #tpu.memory_space<vmem>>) target(%dma_start3A_573 : memref<32xf32, #tpu.memory_space<hbm>>) target_semaphore(%arg8 : memref<!tpu.dma_semaphore, #tpu.memory_space<semaphore_mem>>)
    %dma_start3A_577 = arith.constant 4 : i32
    %dma_start3A_578 = arith.constant 4 : i32
    %dma_start3A_579 = arith.constant 0 : i32
    %dma_start3A_580 = tpu.memref_slice %arg7[%dma_start3A_577, %dma_start3A_579] : memref<6x32xf32, #tpu.memory_space<vmem>> -> memref<1x32xf32, #tpu.memory_space<vmem>>
    %dma_start3A_581 = tpu.memref_squeeze %dma_start3A_580 : memref<1x32xf32, #tpu.memory_space<vmem>> -> memref<32xf32, #tpu.memory_space<vmem>>
    %dma_start3A_582 = tpu.memref_slice %arg4[%dma_start3A_578, %mul3A_2] : memref<6x1024xf32, #tpu.memory_space<hbm>> -> memref<1x32xf32, #tpu.memory_space<hbm>>
    %dma_start3A_583 = tpu.memref_squeeze %dma_start3A_582 : memref<1x32xf32, #tpu.memory_space<hbm>> -> memref<32xf32, #tpu.memory_space<hbm>>
    %dma_start3A_584 = tpu.memref_slice %arg4[%dma_start3A_578, %mul3A_2] : memref<6x1024xf32, #tpu.memory_space<hbm>> -> memref<1x32xf32, #tpu.memory_space<hbm>>
    %dma_start3A_585 = tpu.memref_squeeze %dma_start3A_584 : memref<1x32xf32, #tpu.memory_space<hbm>> -> memref<32xf32, #tpu.memory_space<hbm>>
    %dma_start3A_586 = arith.constant 0 : i32
    %dma_start3A_587 = tpu.memref_slice %arg7[%dma_start3A_577, %dma_start3A_586] : memref<6x32xf32, #tpu.memory_space<vmem>> -> memref<1x32xf32, #tpu.memory_space<vmem>>
    %dma_start3A_588 = tpu.memref_squeeze %dma_start3A_587 : memref<1x32xf32, #tpu.memory_space<vmem>> -> memref<32xf32, #tpu.memory_space<vmem>>
    tpu.enqueue_dma source(%dma_start3A_588 : memref<32xf32, #tpu.memory_space<vmem>>) target(%dma_start3A_585 : memref<32xf32, #tpu.memory_space<hbm>>) target_semaphore(%arg8 : memref<!tpu.dma_semaphore, #tpu.memory_space<semaphore_mem>>)
    %dma_start3A_589 = arith.constant 5 : i32
    %dma_start3A_590 = arith.constant 5 : i32
    %dma_start3A_591 = arith.constant 0 : i32
    %dma_start3A_592 = tpu.memref_slice %arg6[%dma_start3A_589, %dma_start3A_591] : memref<6x32xf32, #tpu.memory_space<vmem>> -> memref<1x32xf32, #tpu.memory_space<vmem>>
    %dma_start3A_593 = tpu.memref_squeeze %dma_start3A_592 : memref<1x32xf32, #tpu.memory_space<vmem>> -> memref<32xf32, #tpu.memory_space<vmem>>
    %dma_start3A_594 = tpu.memref_slice %arg3[%dma_start3A_590, %mul3A_2] : memref<6x1024xf32, #tpu.memory_space<hbm>> -> memref<1x32xf32, #tpu.memory_space<hbm>>
    %dma_start3A_595 = tpu.memref_squeeze %dma_start3A_594 : memref<1x32xf32, #tpu.memory_space<hbm>> -> memref<32xf32, #tpu.memory_space<hbm>>
    %dma_start3A_596 = tpu.memref_slice %arg3[%dma_start3A_590, %mul3A_2] : memref<6x1024xf32, #tpu.memory_space<hbm>> -> memref<1x32xf32, #tpu.memory_space<hbm>>
    %dma_start3A_597 = tpu.memref_squeeze %dma_start3A_596 : memref<1x32xf32, #tpu.memory_space<hbm>> -> memref<32xf32, #tpu.memory_space<hbm>>
    %dma_start3A_598 = arith.constant 0 : i32
    %dma_start3A_599 = tpu.memref_slice %arg6[%dma_start3A_589, %dma_start3A_598] : memref<6x32xf32, #tpu.memory_space<vmem>> -> memref<1x32xf32, #tpu.memory_space<vmem>>
    %dma_start3A_600 = tpu.memref_squeeze %dma_start3A_599 : memref<1x32xf32, #tpu.memory_space<vmem>> -> memref<32xf32, #tpu.memory_space<vmem>>
    tpu.enqueue_dma source(%dma_start3A_600 : memref<32xf32, #tpu.memory_space<vmem>>) target(%dma_start3A_597 : memref<32xf32, #tpu.memory_space<hbm>>) target_semaphore(%arg8 : memref<!tpu.dma_semaphore, #tpu.memory_space<semaphore_mem>>)
    %dma_start3A_601 = arith.constant 5 : i32
    %dma_start3A_602 = arith.constant 5 : i32
    %dma_start3A_603 = arith.constant 0 : i32
    %dma_start3A_604 = tpu.memref_slice %arg7[%dma_start3A_601, %dma_start3A_603] : memref<6x32xf32, #tpu.memory_space<vmem>> -> memref<1x32xf32, #tpu.memory_space<vmem>>
    %dma_start3A_605 = tpu.memref_squeeze %dma_start3A_604 : memref<1x32xf32, #tpu.memory_space<vmem>> -> memref<32xf32, #tpu.memory_space<vmem>>
    %dma_start3A_606 = tpu.memref_slice %arg4[%dma_start3A_602, %mul3A_2] : memref<6x1024xf32, #tpu.memory_space<hbm>> -> memref<1x32xf32, #tpu.memory_space<hbm>>
    %dma_start3A_607 = tpu.memref_squeeze %dma_start3A_606 : memref<1x32xf32, #tpu.memory_space<hbm>> -> memref<32xf32, #tpu.memory_space<hbm>>
    %dma_start3A_608 = tpu.memref_slice %arg4[%dma_start3A_602, %mul3A_2] : memref<6x1024xf32, #tpu.memory_space<hbm>> -> memref<1x32xf32, #tpu.memory_space<hbm>>
    %dma_start3A_609 = tpu.memref_squeeze %dma_start3A_608 : memref<1x32xf32, #tpu.memory_space<hbm>> -> memref<32xf32, #tpu.memory_space<hbm>>
    %dma_start3A_610 = arith.constant 0 : i32
    %dma_start3A_611 = tpu.memref_slice %arg7[%dma_start3A_601, %dma_start3A_610] : memref<6x32xf32, #tpu.memory_space<vmem>> -> memref<1x32xf32, #tpu.memory_space<vmem>>
    %dma_start3A_612 = tpu.memref_squeeze %dma_start3A_611 : memref<1x32xf32, #tpu.memory_space<vmem>> -> memref<32xf32, #tpu.memory_space<vmem>>
    tpu.enqueue_dma source(%dma_start3A_612 : memref<32xf32, #tpu.memory_space<vmem>>) target(%dma_start3A_609 : memref<32xf32, #tpu.memory_space<hbm>>) target_semaphore(%arg8 : memref<!tpu.dma_semaphore, #tpu.memory_space<semaphore_mem>>)
    %dma_wait3A = arith.constant 0 : i32
    %dma_wait3A_613 = arith.constant 0 : i32
    %dma_wait3A_614 = arith.constant 0 : i32
    %dma_wait3A_615 = tpu.memref_slice %arg6[%dma_wait3A, %dma_wait3A_614] : memref<6x32xf32, #tpu.memory_space<vmem>> -> memref<1x32xf32, #tpu.memory_space<vmem>>
    %dma_wait3A_616 = tpu.memref_squeeze %dma_wait3A_615 : memref<1x32xf32, #tpu.memory_space<vmem>> -> memref<32xf32, #tpu.memory_space<vmem>>
    %dma_wait3A_617 = tpu.memref_slice %arg3[%dma_wait3A_613, %mul3A_2] : memref<6x1024xf32, #tpu.memory_space<hbm>> -> memref<1x32xf32, #tpu.memory_space<hbm>>
    %dma_wait3A_618 = tpu.memref_squeeze %dma_wait3A_617 : memref<1x32xf32, #tpu.memory_space<hbm>> -> memref<32xf32, #tpu.memory_space<hbm>>
    %dma_wait3A_619 = tpu.memref_slice %arg3[%dma_wait3A_613, %mul3A_2] : memref<6x1024xf32, #tpu.memory_space<hbm>> -> memref<1x32xf32, #tpu.memory_space<hbm>>
    %dma_wait3A_620 = tpu.memref_squeeze %dma_wait3A_619 : memref<1x32xf32, #tpu.memory_space<hbm>> -> memref<32xf32, #tpu.memory_space<hbm>>
    %dma_wait3A_621 = arith.constant 0 : i32
    %dma_wait3A_622 = tpu.memref_slice %arg6[%dma_wait3A, %dma_wait3A_621] : memref<6x32xf32, #tpu.memory_space<vmem>> -> memref<1x32xf32, #tpu.memory_space<vmem>>
    %dma_wait3A_623 = tpu.memref_squeeze %dma_wait3A_622 : memref<1x32xf32, #tpu.memory_space<vmem>> -> memref<32xf32, #tpu.memory_space<vmem>>
    tpu.wait_dma2 semaphore(%arg8 : memref<!tpu.dma_semaphore, #tpu.memory_space<semaphore_mem>>) src(%dma_wait3A_623 : memref<32xf32, #tpu.memory_space<vmem>>) dst(%dma_wait3A_620 : memref<32xf32, #tpu.memory_space<hbm>>)
    %dma_wait3A_624 = arith.constant 0 : i32
    %dma_wait3A_625 = arith.constant 0 : i32
    %dma_wait3A_626 = arith.constant 0 : i32
    %dma_wait3A_627 = tpu.memref_slice %arg7[%dma_wait3A_624, %dma_wait3A_626] : memref<6x32xf32, #tpu.memory_space<vmem>> -> memref<1x32xf32, #tpu.memory_space<vmem>>
    %dma_wait3A_628 = tpu.memref_squeeze %dma_wait3A_627 : memref<1x32xf32, #tpu.memory_space<vmem>> -> memref<32xf32, #tpu.memory_space<vmem>>
    %dma_wait3A_629 = tpu.memref_slice %arg4[%dma_wait3A_625, %mul3A_2] : memref<6x1024xf32, #tpu.memory_space<hbm>> -> memref<1x32xf32, #tpu.memory_space<hbm>>
    %dma_wait3A_630 = tpu.memref_squeeze %dma_wait3A_629 : memref<1x32xf32, #tpu.memory_space<hbm>> -> memref<32xf32, #tpu.memory_space<hbm>>
    %dma_wait3A_631 = tpu.memref_slice %arg4[%dma_wait3A_625, %mul3A_2] : memref<6x1024xf32, #tpu.memory_space<hbm>> -> memref<1x32xf32, #tpu.memory_space<hbm>>
    %dma_wait3A_632 = tpu.memref_squeeze %dma_wait3A_631 : memref<1x32xf32, #tpu.memory_space<hbm>> -> memref<32xf32, #tpu.memory_space<hbm>>
    %dma_wait3A_633 = arith.constant 0 : i32
    %dma_wait3A_634 = tpu.memref_slice %arg7[%dma_wait3A_624, %dma_wait3A_633] : memref<6x32xf32, #tpu.memory_space<vmem>> -> memref<1x32xf32, #tpu.memory_space<vmem>>
    %dma_wait3A_635 = tpu.memref_squeeze %dma_wait3A_634 : memref<1x32xf32, #tpu.memory_space<vmem>> -> memref<32xf32, #tpu.memory_space<vmem>>
    tpu.wait_dma2 semaphore(%arg8 : memref<!tpu.dma_semaphore, #tpu.memory_space<semaphore_mem>>) src(%dma_wait3A_635 : memref<32xf32, #tpu.memory_space<vmem>>) dst(%dma_wait3A_632 : memref<32xf32, #tpu.memory_space<hbm>>)
    %dma_wait3A_636 = arith.constant 1 : i32
    %dma_wait3A_637 = arith.constant 1 : i32
    %dma_wait3A_638 = arith.constant 0 : i32
    %dma_wait3A_639 = tpu.memref_slice %arg6[%dma_wait3A_636, %dma_wait3A_638] : memref<6x32xf32, #tpu.memory_space<vmem>> -> memref<1x32xf32, #tpu.memory_space<vmem>>
    %dma_wait3A_640 = tpu.memref_squeeze %dma_wait3A_639 : memref<1x32xf32, #tpu.memory_space<vmem>> -> memref<32xf32, #tpu.memory_space<vmem>>
    %dma_wait3A_641 = tpu.memref_slice %arg3[%dma_wait3A_637, %mul3A_2] : memref<6x1024xf32, #tpu.memory_space<hbm>> -> memref<1x32xf32, #tpu.memory_space<hbm>>
    %dma_wait3A_642 = tpu.memref_squeeze %dma_wait3A_641 : memref<1x32xf32, #tpu.memory_space<hbm>> -> memref<32xf32, #tpu.memory_space<hbm>>
    %dma_wait3A_643 = tpu.memref_slice %arg3[%dma_wait3A_637, %mul3A_2] : memref<6x1024xf32, #tpu.memory_space<hbm>> -> memref<1x32xf32, #tpu.memory_space<hbm>>
    %dma_wait3A_644 = tpu.memref_squeeze %dma_wait3A_643 : memref<1x32xf32, #tpu.memory_space<hbm>> -> memref<32xf32, #tpu.memory_space<hbm>>
    %dma_wait3A_645 = arith.constant 0 : i32
    %dma_wait3A_646 = tpu.memref_slice %arg6[%dma_wait3A_636, %dma_wait3A_645] : memref<6x32xf32, #tpu.memory_space<vmem>> -> memref<1x32xf32, #tpu.memory_space<vmem>>
    %dma_wait3A_647 = tpu.memref_squeeze %dma_wait3A_646 : memref<1x32xf32, #tpu.memory_space<vmem>> -> memref<32xf32, #tpu.memory_space<vmem>>
    tpu.wait_dma2 semaphore(%arg8 : memref<!tpu.dma_semaphore, #tpu.memory_space<semaphore_mem>>) src(%dma_wait3A_647 : memref<32xf32, #tpu.memory_space<vmem>>) dst(%dma_wait3A_644 : memref<32xf32, #tpu.memory_space<hbm>>)
    %dma_wait3A_648 = arith.constant 1 : i32
    %dma_wait3A_649 = arith.constant 1 : i32
    %dma_wait3A_650 = arith.constant 0 : i32
    %dma_wait3A_651 = tpu.memref_slice %arg7[%dma_wait3A_648, %dma_wait3A_650] : memref<6x32xf32, #tpu.memory_space<vmem>> -> memref<1x32xf32, #tpu.memory_space<vmem>>
    %dma_wait3A_652 = tpu.memref_squeeze %dma_wait3A_651 : memref<1x32xf32, #tpu.memory_space<vmem>> -> memref<32xf32, #tpu.memory_space<vmem>>
    %dma_wait3A_653 = tpu.memref_slice %arg4[%dma_wait3A_649, %mul3A_2] : memref<6x1024xf32, #tpu.memory_space<hbm>> -> memref<1x32xf32, #tpu.memory_space<hbm>>
    %dma_wait3A_654 = tpu.memref_squeeze %dma_wait3A_653 : memref<1x32xf32, #tpu.memory_space<hbm>> -> memref<32xf32, #tpu.memory_space<hbm>>
    %dma_wait3A_655 = tpu.memref_slice %arg4[%dma_wait3A_649, %mul3A_2] : memref<6x1024xf32, #tpu.memory_space<hbm>> -> memref<1x32xf32, #tpu.memory_space<hbm>>
    %dma_wait3A_656 = tpu.memref_squeeze %dma_wait3A_655 : memref<1x32xf32, #tpu.memory_space<hbm>> -> memref<32xf32, #tpu.memory_space<hbm>>
    %dma_wait3A_657 = arith.constant 0 : i32
    %dma_wait3A_658 = tpu.memref_slice %arg7[%dma_wait3A_648, %dma_wait3A_657] : memref<6x32xf32, #tpu.memory_space<vmem>> -> memref<1x32xf32, #tpu.memory_space<vmem>>
    %dma_wait3A_659 = tpu.memref_squeeze %dma_wait3A_658 : memref<1x32xf32, #tpu.memory_space<vmem>> -> memref<32xf32, #tpu.memory_space<vmem>>
    tpu.wait_dma2 semaphore(%arg8 : memref<!tpu.dma_semaphore, #tpu.memory_space<semaphore_mem>>) src(%dma_wait3A_659 : memref<32xf32, #tpu.memory_space<vmem>>) dst(%dma_wait3A_656 : memref<32xf32, #tpu.memory_space<hbm>>)
    %dma_wait3A_660 = arith.constant 2 : i32
    %dma_wait3A_661 = arith.constant 2 : i32
    %dma_wait3A_662 = arith.constant 0 : i32
    %dma_wait3A_663 = tpu.memref_slice %arg6[%dma_wait3A_660, %dma_wait3A_662] : memref<6x32xf32, #tpu.memory_space<vmem>> -> memref<1x32xf32, #tpu.memory_space<vmem>>
    %dma_wait3A_664 = tpu.memref_squeeze %dma_wait3A_663 : memref<1x32xf32, #tpu.memory_space<vmem>> -> memref<32xf32, #tpu.memory_space<vmem>>
    %dma_wait3A_665 = tpu.memref_slice %arg3[%dma_wait3A_661, %mul3A_2] : memref<6x1024xf32, #tpu.memory_space<hbm>> -> memref<1x32xf32, #tpu.memory_space<hbm>>
    %dma_wait3A_666 = tpu.memref_squeeze %dma_wait3A_665 : memref<1x32xf32, #tpu.memory_space<hbm>> -> memref<32xf32, #tpu.memory_space<hbm>>
    %dma_wait3A_667 = tpu.memref_slice %arg3[%dma_wait3A_661, %mul3A_2] : memref<6x1024xf32, #tpu.memory_space<hbm>> -> memref<1x32xf32, #tpu.memory_space<hbm>>
    %dma_wait3A_668 = tpu.memref_squeeze %dma_wait3A_667 : memref<1x32xf32, #tpu.memory_space<hbm>> -> memref<32xf32, #tpu.memory_space<hbm>>
    %dma_wait3A_669 = arith.constant 0 : i32
    %dma_wait3A_670 = tpu.memref_slice %arg6[%dma_wait3A_660, %dma_wait3A_669] : memref<6x32xf32, #tpu.memory_space<vmem>> -> memref<1x32xf32, #tpu.memory_space<vmem>>
    %dma_wait3A_671 = tpu.memref_squeeze %dma_wait3A_670 : memref<1x32xf32, #tpu.memory_space<vmem>> -> memref<32xf32, #tpu.memory_space<vmem>>
    tpu.wait_dma2 semaphore(%arg8 : memref<!tpu.dma_semaphore, #tpu.memory_space<semaphore_mem>>) src(%dma_wait3A_671 : memref<32xf32, #tpu.memory_space<vmem>>) dst(%dma_wait3A_668 : memref<32xf32, #tpu.memory_space<hbm>>)
    %dma_wait3A_672 = arith.constant 2 : i32
    %dma_wait3A_673 = arith.constant 2 : i32
    %dma_wait3A_674 = arith.constant 0 : i32
    %dma_wait3A_675 = tpu.memref_slice %arg7[%dma_wait3A_672, %dma_wait3A_674] : memref<6x32xf32, #tpu.memory_space<vmem>> -> memref<1x32xf32, #tpu.memory_space<vmem>>
    %dma_wait3A_676 = tpu.memref_squeeze %dma_wait3A_675 : memref<1x32xf32, #tpu.memory_space<vmem>> -> memref<32xf32, #tpu.memory_space<vmem>>
    %dma_wait3A_677 = tpu.memref_slice %arg4[%dma_wait3A_673, %mul3A_2] : memref<6x1024xf32, #tpu.memory_space<hbm>> -> memref<1x32xf32, #tpu.memory_space<hbm>>
    %dma_wait3A_678 = tpu.memref_squeeze %dma_wait3A_677 : memref<1x32xf32, #tpu.memory_space<hbm>> -> memref<32xf32, #tpu.memory_space<hbm>>
    %dma_wait3A_679 = tpu.memref_slice %arg4[%dma_wait3A_673, %mul3A_2] : memref<6x1024xf32, #tpu.memory_space<hbm>> -> memref<1x32xf32, #tpu.memory_space<hbm>>
    %dma_wait3A_680 = tpu.memref_squeeze %dma_wait3A_679 : memref<1x32xf32, #tpu.memory_space<hbm>> -> memref<32xf32, #tpu.memory_space<hbm>>
    %dma_wait3A_681 = arith.constant 0 : i32
    %dma_wait3A_682 = tpu.memref_slice %arg7[%dma_wait3A_672, %dma_wait3A_681] : memref<6x32xf32, #tpu.memory_space<vmem>> -> memref<1x32xf32, #tpu.memory_space<vmem>>
    %dma_wait3A_683 = tpu.memref_squeeze %dma_wait3A_682 : memref<1x32xf32, #tpu.memory_space<vmem>> -> memref<32xf32, #tpu.memory_space<vmem>>
    tpu.wait_dma2 semaphore(%arg8 : memref<!tpu.dma_semaphore, #tpu.memory_space<semaphore_mem>>) src(%dma_wait3A_683 : memref<32xf32, #tpu.memory_space<vmem>>) dst(%dma_wait3A_680 : memref<32xf32, #tpu.memory_space<hbm>>)
    %dma_wait3A_684 = arith.constant 3 : i32
    %dma_wait3A_685 = arith.constant 3 : i32
    %dma_wait3A_686 = arith.constant 0 : i32
    %dma_wait3A_687 = tpu.memref_slice %arg6[%dma_wait3A_684, %dma_wait3A_686] : memref<6x32xf32, #tpu.memory_space<vmem>> -> memref<1x32xf32, #tpu.memory_space<vmem>>
    %dma_wait3A_688 = tpu.memref_squeeze %dma_wait3A_687 : memref<1x32xf32, #tpu.memory_space<vmem>> -> memref<32xf32, #tpu.memory_space<vmem>>
    %dma_wait3A_689 = tpu.memref_slice %arg3[%dma_wait3A_685, %mul3A_2] : memref<6x1024xf32, #tpu.memory_space<hbm>> -> memref<1x32xf32, #tpu.memory_space<hbm>>
    %dma_wait3A_690 = tpu.memref_squeeze %dma_wait3A_689 : memref<1x32xf32, #tpu.memory_space<hbm>> -> memref<32xf32, #tpu.memory_space<hbm>>
    %dma_wait3A_691 = tpu.memref_slice %arg3[%dma_wait3A_685, %mul3A_2] : memref<6x1024xf32, #tpu.memory_space<hbm>> -> memref<1x32xf32, #tpu.memory_space<hbm>>
    %dma_wait3A_692 = tpu.memref_squeeze %dma_wait3A_691 : memref<1x32xf32, #tpu.memory_space<hbm>> -> memref<32xf32, #tpu.memory_space<hbm>>
    %dma_wait3A_693 = arith.constant 0 : i32
    %dma_wait3A_694 = tpu.memref_slice %arg6[%dma_wait3A_684, %dma_wait3A_693] : memref<6x32xf32, #tpu.memory_space<vmem>> -> memref<1x32xf32, #tpu.memory_space<vmem>>
    %dma_wait3A_695 = tpu.memref_squeeze %dma_wait3A_694 : memref<1x32xf32, #tpu.memory_space<vmem>> -> memref<32xf32, #tpu.memory_space<vmem>>
    tpu.wait_dma2 semaphore(%arg8 : memref<!tpu.dma_semaphore, #tpu.memory_space<semaphore_mem>>) src(%dma_wait3A_695 : memref<32xf32, #tpu.memory_space<vmem>>) dst(%dma_wait3A_692 : memref<32xf32, #tpu.memory_space<hbm>>)
    %dma_wait3A_696 = arith.constant 3 : i32
    %dma_wait3A_697 = arith.constant 3 : i32
    %dma_wait3A_698 = arith.constant 0 : i32
    %dma_wait3A_699 = tpu.memref_slice %arg7[%dma_wait3A_696, %dma_wait3A_698] : memref<6x32xf32, #tpu.memory_space<vmem>> -> memref<1x32xf32, #tpu.memory_space<vmem>>
    %dma_wait3A_700 = tpu.memref_squeeze %dma_wait3A_699 : memref<1x32xf32, #tpu.memory_space<vmem>> -> memref<32xf32, #tpu.memory_space<vmem>>
    %dma_wait3A_701 = tpu.memref_slice %arg4[%dma_wait3A_697, %mul3A_2] : memref<6x1024xf32, #tpu.memory_space<hbm>> -> memref<1x32xf32, #tpu.memory_space<hbm>>
    %dma_wait3A_702 = tpu.memref_squeeze %dma_wait3A_701 : memref<1x32xf32, #tpu.memory_space<hbm>> -> memref<32xf32, #tpu.memory_space<hbm>>
    %dma_wait3A_703 = tpu.memref_slice %arg4[%dma_wait3A_697, %mul3A_2] : memref<6x1024xf32, #tpu.memory_space<hbm>> -> memref<1x32xf32, #tpu.memory_space<hbm>>
    %dma_wait3A_704 = tpu.memref_squeeze %dma_wait3A_703 : memref<1x32xf32, #tpu.memory_space<hbm>> -> memref<32xf32, #tpu.memory_space<hbm>>
    %dma_wait3A_705 = arith.constant 0 : i32
    %dma_wait3A_706 = tpu.memref_slice %arg7[%dma_wait3A_696, %dma_wait3A_705] : memref<6x32xf32, #tpu.memory_space<vmem>> -> memref<1x32xf32, #tpu.memory_space<vmem>>
    %dma_wait3A_707 = tpu.memref_squeeze %dma_wait3A_706 : memref<1x32xf32, #tpu.memory_space<vmem>> -> memref<32xf32, #tpu.memory_space<vmem>>
    tpu.wait_dma2 semaphore(%arg8 : memref<!tpu.dma_semaphore, #tpu.memory_space<semaphore_mem>>) src(%dma_wait3A_707 : memref<32xf32, #tpu.memory_space<vmem>>) dst(%dma_wait3A_704 : memref<32xf32, #tpu.memory_space<hbm>>)
    %dma_wait3A_708 = arith.constant 4 : i32
    %dma_wait3A_709 = arith.constant 4 : i32
    %dma_wait3A_710 = arith.constant 0 : i32
    %dma_wait3A_711 = tpu.memref_slice %arg6[%dma_wait3A_708, %dma_wait3A_710] : memref<6x32xf32, #tpu.memory_space<vmem>> -> memref<1x32xf32, #tpu.memory_space<vmem>>
    %dma_wait3A_712 = tpu.memref_squeeze %dma_wait3A_711 : memref<1x32xf32, #tpu.memory_space<vmem>> -> memref<32xf32, #tpu.memory_space<vmem>>
    %dma_wait3A_713 = tpu.memref_slice %arg3[%dma_wait3A_709, %mul3A_2] : memref<6x1024xf32, #tpu.memory_space<hbm>> -> memref<1x32xf32, #tpu.memory_space<hbm>>
    %dma_wait3A_714 = tpu.memref_squeeze %dma_wait3A_713 : memref<1x32xf32, #tpu.memory_space<hbm>> -> memref<32xf32, #tpu.memory_space<hbm>>
    %dma_wait3A_715 = tpu.memref_slice %arg3[%dma_wait3A_709, %mul3A_2] : memref<6x1024xf32, #tpu.memory_space<hbm>> -> memref<1x32xf32, #tpu.memory_space<hbm>>
    %dma_wait3A_716 = tpu.memref_squeeze %dma_wait3A_715 : memref<1x32xf32, #tpu.memory_space<hbm>> -> memref<32xf32, #tpu.memory_space<hbm>>
    %dma_wait3A_717 = arith.constant 0 : i32
    %dma_wait3A_718 = tpu.memref_slice %arg6[%dma_wait3A_708, %dma_wait3A_717] : memref<6x32xf32, #tpu.memory_space<vmem>> -> memref<1x32xf32, #tpu.memory_space<vmem>>
    %dma_wait3A_719 = tpu.memref_squeeze %dma_wait3A_718 : memref<1x32xf32, #tpu.memory_space<vmem>> -> memref<32xf32, #tpu.memory_space<vmem>>
    tpu.wait_dma2 semaphore(%arg8 : memref<!tpu.dma_semaphore, #tpu.memory_space<semaphore_mem>>) src(%dma_wait3A_719 : memref<32xf32, #tpu.memory_space<vmem>>) dst(%dma_wait3A_716 : memref<32xf32, #tpu.memory_space<hbm>>)
    %dma_wait3A_720 = arith.constant 4 : i32
    %dma_wait3A_721 = arith.constant 4 : i32
    %dma_wait3A_722 = arith.constant 0 : i32
    %dma_wait3A_723 = tpu.memref_slice %arg7[%dma_wait3A_720, %dma_wait3A_722] : memref<6x32xf32, #tpu.memory_space<vmem>> -> memref<1x32xf32, #tpu.memory_space<vmem>>
    %dma_wait3A_724 = tpu.memref_squeeze %dma_wait3A_723 : memref<1x32xf32, #tpu.memory_space<vmem>> -> memref<32xf32, #tpu.memory_space<vmem>>
    %dma_wait3A_725 = tpu.memref_slice %arg4[%dma_wait3A_721, %mul3A_2] : memref<6x1024xf32, #tpu.memory_space<hbm>> -> memref<1x32xf32, #tpu.memory_space<hbm>>
    %dma_wait3A_726 = tpu.memref_squeeze %dma_wait3A_725 : memref<1x32xf32, #tpu.memory_space<hbm>> -> memref<32xf32, #tpu.memory_space<hbm>>
    %dma_wait3A_727 = tpu.memref_slice %arg4[%dma_wait3A_721, %mul3A_2] : memref<6x1024xf32, #tpu.memory_space<hbm>> -> memref<1x32xf32, #tpu.memory_space<hbm>>
    %dma_wait3A_728 = tpu.memref_squeeze %dma_wait3A_727 : memref<1x32xf32, #tpu.memory_space<hbm>> -> memref<32xf32, #tpu.memory_space<hbm>>
    %dma_wait3A_729 = arith.constant 0 : i32
    %dma_wait3A_730 = tpu.memref_slice %arg7[%dma_wait3A_720, %dma_wait3A_729] : memref<6x32xf32, #tpu.memory_space<vmem>> -> memref<1x32xf32, #tpu.memory_space<vmem>>
    %dma_wait3A_731 = tpu.memref_squeeze %dma_wait3A_730 : memref<1x32xf32, #tpu.memory_space<vmem>> -> memref<32xf32, #tpu.memory_space<vmem>>
    tpu.wait_dma2 semaphore(%arg8 : memref<!tpu.dma_semaphore, #tpu.memory_space<semaphore_mem>>) src(%dma_wait3A_731 : memref<32xf32, #tpu.memory_space<vmem>>) dst(%dma_wait3A_728 : memref<32xf32, #tpu.memory_space<hbm>>)
    %dma_wait3A_732 = arith.constant 5 : i32
    %dma_wait3A_733 = arith.constant 5 : i32
    %dma_wait3A_734 = arith.constant 0 : i32
    %dma_wait3A_735 = tpu.memref_slice %arg6[%dma_wait3A_732, %dma_wait3A_734] : memref<6x32xf32, #tpu.memory_space<vmem>> -> memref<1x32xf32, #tpu.memory_space<vmem>>
    %dma_wait3A_736 = tpu.memref_squeeze %dma_wait3A_735 : memref<1x32xf32, #tpu.memory_space<vmem>> -> memref<32xf32, #tpu.memory_space<vmem>>
    %dma_wait3A_737 = tpu.memref_slice %arg3[%dma_wait3A_733, %mul3A_2] : memref<6x1024xf32, #tpu.memory_space<hbm>> -> memref<1x32xf32, #tpu.memory_space<hbm>>
    %dma_wait3A_738 = tpu.memref_squeeze %dma_wait3A_737 : memref<1x32xf32, #tpu.memory_space<hbm>> -> memref<32xf32, #tpu.memory_space<hbm>>
    %dma_wait3A_739 = tpu.memref_slice %arg3[%dma_wait3A_733, %mul3A_2] : memref<6x1024xf32, #tpu.memory_space<hbm>> -> memref<1x32xf32, #tpu.memory_space<hbm>>
    %dma_wait3A_740 = tpu.memref_squeeze %dma_wait3A_739 : memref<1x32xf32, #tpu.memory_space<hbm>> -> memref<32xf32, #tpu.memory_space<hbm>>
    %dma_wait3A_741 = arith.constant 0 : i32
    %dma_wait3A_742 = tpu.memref_slice %arg6[%dma_wait3A_732, %dma_wait3A_741] : memref<6x32xf32, #tpu.memory_space<vmem>> -> memref<1x32xf32, #tpu.memory_space<vmem>>
    %dma_wait3A_743 = tpu.memref_squeeze %dma_wait3A_742 : memref<1x32xf32, #tpu.memory_space<vmem>> -> memref<32xf32, #tpu.memory_space<vmem>>
    tpu.wait_dma2 semaphore(%arg8 : memref<!tpu.dma_semaphore, #tpu.memory_space<semaphore_mem>>) src(%dma_wait3A_743 : memref<32xf32, #tpu.memory_space<vmem>>) dst(%dma_wait3A_740 : memref<32xf32, #tpu.memory_space<hbm>>)
    %dma_wait3A_744 = arith.constant 5 : i32
    %dma_wait3A_745 = arith.constant 5 : i32
    %dma_wait3A_746 = arith.constant 0 : i32
    %dma_wait3A_747 = tpu.memref_slice %arg7[%dma_wait3A_744, %dma_wait3A_746] : memref<6x32xf32, #tpu.memory_space<vmem>> -> memref<1x32xf32, #tpu.memory_space<vmem>>
    %dma_wait3A_748 = tpu.memref_squeeze %dma_wait3A_747 : memref<1x32xf32, #tpu.memory_space<vmem>> -> memref<32xf32, #tpu.memory_space<vmem>>
    %dma_wait3A_749 = tpu.memref_slice %arg4[%dma_wait3A_745, %mul3A_2] : memref<6x1024xf32, #tpu.memory_space<hbm>> -> memref<1x32xf32, #tpu.memory_space<hbm>>
    %dma_wait3A_750 = tpu.memref_squeeze %dma_wait3A_749 : memref<1x32xf32, #tpu.memory_space<hbm>> -> memref<32xf32, #tpu.memory_space<hbm>>
    %dma_wait3A_751 = tpu.memref_slice %arg4[%dma_wait3A_745, %mul3A_2] : memref<6x1024xf32, #tpu.memory_space<hbm>> -> memref<1x32xf32, #tpu.memory_space<hbm>>
    %dma_wait3A_752 = tpu.memref_squeeze %dma_wait3A_751 : memref<1x32xf32, #tpu.memory_space<hbm>> -> memref<32xf32, #tpu.memory_space<hbm>>
    %dma_wait3A_753 = arith.constant 0 : i32
    %dma_wait3A_754 = tpu.memref_slice %arg7[%dma_wait3A_744, %dma_wait3A_753] : memref<6x32xf32, #tpu.memory_space<vmem>> -> memref<1x32xf32, #tpu.memory_space<vmem>>
    %dma_wait3A_755 = tpu.memref_squeeze %dma_wait3A_754 : memref<1x32xf32, #tpu.memory_space<vmem>> -> memref<32xf32, #tpu.memory_space<vmem>>
    tpu.wait_dma2 semaphore(%arg8 : memref<!tpu.dma_semaphore, #tpu.memory_space<semaphore_mem>>) src(%dma_wait3A_755 : memref<32xf32, #tpu.memory_space<vmem>>) dst(%dma_wait3A_752 : memref<32xf32, #tpu.memory_space<hbm>>)
    return
  }
}

module attributes {stable_mosaic.version = 14 : i64} {
  func.func @_mean_body(%arg0: i32, %arg1: i32, %arg2: i32, %arg3: memref<4x4x512x256xf32, #tpu.memory_space<vmem>>, %arg4: memref<512x256xf32, #tpu.memory_space<vmem>>) attributes {dimension_semantics = [#tpu.dimension_semantics<arbitrary>, #tpu.dimension_semantics<arbitrary>, #tpu.dimension_semantics<arbitrary>], iteration_bounds = array<i64: 2, 7, 7>, scalar_prefetch = 0 : i64, scratch_operands = 0 : i64, tpu.core_type = #tpu.core_type<tc>, window_params = [{transform_indices = @transform_0, window_bounds = array<i64: 4, 4, 512, 256>}, {transform_indices = @transform_1, window_bounds = array<i64: 512, 256>}]} {
    %get3A = arith.constant 0 : index
    %get3A_0 = arith.constant 0 : index
    %get3A_1 = arith.constant 0 : index
    %get3A_2 = arith.constant 0 : index
    %get3A_3 = vector.load %arg3[%get3A, %get3A_0, %get3A_1, %get3A_2] : memref<4x4x512x256xf32, #tpu.memory_space<vmem>>, vector<1x1x512x256xf32>
    %get3A_4 = vector.shape_cast %get3A_3 : vector<1x1x512x256xf32> to vector<512x256xf32>
    %get3A_5 = arith.constant 1 : index
    %get3A_6 = arith.constant 0 : index
    %get3A_7 = arith.constant 0 : index
    %get3A_8 = arith.constant 0 : index
    %get3A_9 = vector.load %arg3[%get3A_5, %get3A_6, %get3A_7, %get3A_8] : memref<4x4x512x256xf32, #tpu.memory_space<vmem>>, vector<1x1x512x256xf32>
    %get3A_10 = vector.shape_cast %get3A_9 : vector<1x1x512x256xf32> to vector<512x256xf32>
    %add3A = arith.addf %get3A_4, %get3A_10 : vector<512x256xf32>
    %get3A_11 = arith.constant 2 : index
    %get3A_12 = arith.constant 0 : index
    %get3A_13 = arith.constant 0 : index
    %get3A_14 = arith.constant 0 : index
    %get3A_15 = vector.load %arg3[%get3A_11, %get3A_12, %get3A_13, %get3A_14] : memref<4x4x512x256xf32, #tpu.memory_space<vmem>>, vector<1x1x512x256xf32>
    %get3A_16 = vector.shape_cast %get3A_15 : vector<1x1x512x256xf32> to vector<512x256xf32>
    %add3A_17 = arith.addf %add3A, %get3A_16 : vector<512x256xf32>
    %get3A_18 = arith.constant 3 : index
    %get3A_19 = arith.constant 0 : index
    %get3A_20 = arith.constant 0 : index
    %get3A_21 = arith.constant 0 : index
    %get3A_22 = vector.load %arg3[%get3A_18, %get3A_19, %get3A_20, %get3A_21] : memref<4x4x512x256xf32, #tpu.memory_space<vmem>>, vector<1x1x512x256xf32>
    %get3A_23 = vector.shape_cast %get3A_22 : vector<1x1x512x256xf32> to vector<512x256xf32>
    %add3A_24 = arith.addf %add3A_17, %get3A_23 : vector<512x256xf32>
    %get3A_25 = arith.constant 0 : index
    %get3A_26 = arith.constant 1 : index
    %get3A_27 = arith.constant 0 : index
    %get3A_28 = arith.constant 0 : index
    %get3A_29 = vector.load %arg3[%get3A_25, %get3A_26, %get3A_27, %get3A_28] : memref<4x4x512x256xf32, #tpu.memory_space<vmem>>, vector<1x1x512x256xf32>
    %get3A_30 = vector.shape_cast %get3A_29 : vector<1x1x512x256xf32> to vector<512x256xf32>
    %add3A_31 = arith.addf %add3A_24, %get3A_30 : vector<512x256xf32>
    %get3A_32 = arith.constant 1 : index
    %get3A_33 = arith.constant 1 : index
    %get3A_34 = arith.constant 0 : index
    %get3A_35 = arith.constant 0 : index
    %get3A_36 = vector.load %arg3[%get3A_32, %get3A_33, %get3A_34, %get3A_35] : memref<4x4x512x256xf32, #tpu.memory_space<vmem>>, vector<1x1x512x256xf32>
    %get3A_37 = vector.shape_cast %get3A_36 : vector<1x1x512x256xf32> to vector<512x256xf32>
    %add3A_38 = arith.addf %add3A_31, %get3A_37 : vector<512x256xf32>
    %get3A_39 = arith.constant 2 : index
    %get3A_40 = arith.constant 1 : index
    %get3A_41 = arith.constant 0 : index
    %get3A_42 = arith.constant 0 : index
    %get3A_43 = vector.load %arg3[%get3A_39, %get3A_40, %get3A_41, %get3A_42] : memref<4x4x512x256xf32, #tpu.memory_space<vmem>>, vector<1x1x512x256xf32>
    %get3A_44 = vector.shape_cast %get3A_43 : vector<1x1x512x256xf32> to vector<512x256xf32>
    %add3A_45 = arith.addf %add3A_38, %get3A_44 : vector<512x256xf32>
    %get3A_46 = arith.constant 3 : index
    %get3A_47 = arith.constant 1 : index
    %get3A_48 = arith.constant 0 : index
    %get3A_49 = arith.constant 0 : index
    %get3A_50 = vector.load %arg3[%get3A_46, %get3A_47, %get3A_48, %get3A_49] : memref<4x4x512x256xf32, #tpu.memory_space<vmem>>, vector<1x1x512x256xf32>
    %get3A_51 = vector.shape_cast %get3A_50 : vector<1x1x512x256xf32> to vector<512x256xf32>
    %add3A_52 = arith.addf %add3A_45, %get3A_51 : vector<512x256xf32>
    %get3A_53 = arith.constant 0 : index
    %get3A_54 = arith.constant 2 : index
    %get3A_55 = arith.constant 0 : index
    %get3A_56 = arith.constant 0 : index
    %get3A_57 = vector.load %arg3[%get3A_53, %get3A_54, %get3A_55, %get3A_56] : memref<4x4x512x256xf32, #tpu.memory_space<vmem>>, vector<1x1x512x256xf32>
    %get3A_58 = vector.shape_cast %get3A_57 : vector<1x1x512x256xf32> to vector<512x256xf32>
    %add3A_59 = arith.addf %add3A_52, %get3A_58 : vector<512x256xf32>
    %get3A_60 = arith.constant 1 : index
    %get3A_61 = arith.constant 2 : index
    %get3A_62 = arith.constant 0 : index
    %get3A_63 = arith.constant 0 : index
    %get3A_64 = vector.load %arg3[%get3A_60, %get3A_61, %get3A_62, %get3A_63] : memref<4x4x512x256xf32, #tpu.memory_space<vmem>>, vector<1x1x512x256xf32>
    %get3A_65 = vector.shape_cast %get3A_64 : vector<1x1x512x256xf32> to vector<512x256xf32>
    %add3A_66 = arith.addf %add3A_59, %get3A_65 : vector<512x256xf32>
    %get3A_67 = arith.constant 2 : index
    %get3A_68 = arith.constant 2 : index
    %get3A_69 = arith.constant 0 : index
    %get3A_70 = arith.constant 0 : index
    %get3A_71 = vector.load %arg3[%get3A_67, %get3A_68, %get3A_69, %get3A_70] : memref<4x4x512x256xf32, #tpu.memory_space<vmem>>, vector<1x1x512x256xf32>
    %get3A_72 = vector.shape_cast %get3A_71 : vector<1x1x512x256xf32> to vector<512x256xf32>
    %add3A_73 = arith.addf %add3A_66, %get3A_72 : vector<512x256xf32>
    %get3A_74 = arith.constant 3 : index
    %get3A_75 = arith.constant 2 : index
    %get3A_76 = arith.constant 0 : index
    %get3A_77 = arith.constant 0 : index
    %get3A_78 = vector.load %arg3[%get3A_74, %get3A_75, %get3A_76, %get3A_77] : memref<4x4x512x256xf32, #tpu.memory_space<vmem>>, vector<1x1x512x256xf32>
    %get3A_79 = vector.shape_cast %get3A_78 : vector<1x1x512x256xf32> to vector<512x256xf32>
    %add3A_80 = arith.addf %add3A_73, %get3A_79 : vector<512x256xf32>
    %get3A_81 = arith.constant 0 : index
    %get3A_82 = arith.constant 3 : index
    %get3A_83 = arith.constant 0 : index
    %get3A_84 = arith.constant 0 : index
    %get3A_85 = vector.load %arg3[%get3A_81, %get3A_82, %get3A_83, %get3A_84] : memref<4x4x512x256xf32, #tpu.memory_space<vmem>>, vector<1x1x512x256xf32>
    %get3A_86 = vector.shape_cast %get3A_85 : vector<1x1x512x256xf32> to vector<512x256xf32>
    %add3A_87 = arith.addf %add3A_80, %get3A_86 : vector<512x256xf32>
    %get3A_88 = arith.constant 1 : index
    %get3A_89 = arith.constant 3 : index
    %get3A_90 = arith.constant 0 : index
    %get3A_91 = arith.constant 0 : index
    %get3A_92 = vector.load %arg3[%get3A_88, %get3A_89, %get3A_90, %get3A_91] : memref<4x4x512x256xf32, #tpu.memory_space<vmem>>, vector<1x1x512x256xf32>
    %get3A_93 = vector.shape_cast %get3A_92 : vector<1x1x512x256xf32> to vector<512x256xf32>
    %add3A_94 = arith.addf %add3A_87, %get3A_93 : vector<512x256xf32>
    %get3A_95 = arith.constant 2 : index
    %get3A_96 = arith.constant 3 : index
    %get3A_97 = arith.constant 0 : index
    %get3A_98 = arith.constant 0 : index
    %get3A_99 = vector.load %arg3[%get3A_95, %get3A_96, %get3A_97, %get3A_98] : memref<4x4x512x256xf32, #tpu.memory_space<vmem>>, vector<1x1x512x256xf32>
    %get3A_100 = vector.shape_cast %get3A_99 : vector<1x1x512x256xf32> to vector<512x256xf32>
    %add3A_101 = arith.addf %add3A_94, %get3A_100 : vector<512x256xf32>
    %get3A_102 = arith.constant 3 : index
    %get3A_103 = arith.constant 3 : index
    %get3A_104 = arith.constant 0 : index
    %get3A_105 = arith.constant 0 : index
    %get3A_106 = vector.load %arg3[%get3A_102, %get3A_103, %get3A_104, %get3A_105] : memref<4x4x512x256xf32, #tpu.memory_space<vmem>>, vector<1x1x512x256xf32>
    %get3A_107 = vector.shape_cast %get3A_106 : vector<1x1x512x256xf32> to vector<512x256xf32>
    %add3A_108 = arith.addf %add3A_101, %get3A_107 : vector<512x256xf32>
    %eq3A = arith.constant 0 : i32
    %eq3A_109 = arith.cmpi eq, %arg1, %eq3A : i32
    %eq3A_110 = arith.constant 0 : i32
    %eq3A_111 = arith.cmpi eq, %arg2, %eq3A_110 : i32
    %and3A = arith.andi %eq3A_109, %eq3A_111 : i1
    %eq3A_112 = arith.constant 6 : i32
    %eq3A_113 = arith.cmpi eq, %arg1, %eq3A_112 : i32
    %eq3A_114 = arith.constant 6 : i32
    %eq3A_115 = arith.cmpi eq, %arg2, %eq3A_114 : i32
    %and3A_116 = arith.andi %eq3A_113, %eq3A_115 : i1
    %convert_element_type3A = arith.extui %and3A : i1 to i32
    %cond3A = arith.constant 0 : i32
    %cond3A_117 = arith.cmpi ne, %convert_element_type3A, %cond3A : i32
    scf.if %cond3A_117 {
      %swap3A = arith.constant 0 : index
      %swap3A_128 = arith.constant 0 : index
      %swap3A_129 = vector.load %arg4[%swap3A, %swap3A_128] : memref<512x256xf32, #tpu.memory_space<vmem>>, vector<512x256xf32>
      tpu.vector_store %arg4[%swap3A, %swap3A_128], %add3A_108 {strides = array<i32>} : memref<512x256xf32, #tpu.memory_space<vmem>>, vector<512x256xf32>,
    } else {
    }
    %not3A = arith.constant true
    %not3A_118 = arith.xori %and3A, %not3A : i1
    %not3A_119 = arith.constant true
    %not3A_120 = arith.xori %and3A_116, %not3A_119 : i1
    %and3A_121 = arith.andi %not3A_118, %not3A_120 : i1
    %convert_element_type3A_122 = arith.extui %and3A_121 : i1 to i32
    %cond3A_123 = arith.constant 0 : i32
    %cond3A_124 = arith.cmpi ne, %convert_element_type3A_122, %cond3A_123 : i32
    scf.if %cond3A_124 {
      %get3A_128 = arith.constant 0 : index
      %get3A_129 = arith.constant 0 : index
      %get3A_130 = vector.load %arg4[%get3A_128, %get3A_129] : memref<512x256xf32, #tpu.memory_space<vmem>>, vector<512x256xf32>
      %add3A_131 = arith.addf %get3A_130, %add3A_108 : vector<512x256xf32>
      %swap3A = arith.constant 0 : index
      %swap3A_132 = arith.constant 0 : index
      %swap3A_133 = vector.load %arg4[%swap3A, %swap3A_132] : memref<512x256xf32, #tpu.memory_space<vmem>>, vector<512x256xf32>
      tpu.vector_store %arg4[%swap3A, %swap3A_132], %add3A_131 {strides = array<i32>} : memref<512x256xf32, #tpu.memory_space<vmem>>, vector<512x256xf32>,
    } else {
    }
    %convert_element_type3A_125 = arith.extui %and3A_116 : i1 to i32
    %cond3A_126 = arith.constant 0 : i32
    %cond3A_127 = arith.cmpi ne, %convert_element_type3A_125, %cond3A_126 : i32
    scf.if %cond3A_127 {
      %get3A_128 = arith.constant 0 : index
      %get3A_129 = arith.constant 0 : index
      %get3A_130 = vector.load %arg4[%get3A_128, %get3A_129] : memref<512x256xf32, #tpu.memory_space<vmem>>, vector<512x256xf32>
      %add3A_131 = arith.addf %get3A_130, %add3A_108 : vector<512x256xf32>
      %mul3A = arith.constant 0.00127551018 : f32
      %mul3A_132 = vector.broadcast %mul3A : f32 to vector<512x256xf32>
      %mul3A_133 = arith.mulf %add3A_131, %mul3A_132 : vector<512x256xf32>
      %swap3A = arith.constant 0 : index
      %swap3A_134 = arith.constant 0 : index
      %swap3A_135 = vector.load %arg4[%swap3A, %swap3A_134] : memref<512x256xf32, #tpu.memory_space<vmem>>, vector<512x256xf32>
      tpu.vector_store %arg4[%swap3A, %swap3A_134], %mul3A_133 {strides = array<i32>} : memref<512x256xf32, #tpu.memory_space<vmem>>, vector<512x256xf32>,
    } else {
    }
    return
  }
  func.func @transform_0(%arg0: i32, %arg1: i32, %arg2: i32) -> (i32, i32, i32, i32) {
    %c0_i32 = arith.constant 0 : i32
    %c0_i32_0 = arith.constant 0 : i32
    return %arg1, %arg2, %arg0, %c0_i32 : i32, i32, i32, i32
  }
  func.func @transform_1(%arg0: i32, %arg1: i32, %arg2: i32) -> (i32, i32) {
    %c0_i32 = arith.constant 0 : i32
    %c0_i32_0 = arith.constant 0 : i32
    return %arg0, %c0_i32 : i32, i32
  }
}

</mosaic_0001>

<sc_bundles>
// kernel: kernel.4.cloned.1.call-start
scs
__scs_entry_jumppad:
0x0: {  	(pc) =	sbr.rel $0x88, $3  }
0x1: {  	(tag) =	ssettag $0x0;
	lr =	simm.s32 $0x1  }
0x2: {  	[smem:$0x3F94] =	sst lr;
	_ =	strace $0xD0000000  }
0x3: {  	_ = 	snop  }
0x4: {  	_ = 	snop  }
0x5: {  	_ = 	snop  }
0x6: {  	_ = 	snop  }
0x7: {  	_ = 	snop  }
__scs_overlays_trampoline_lowered:
0x8: {  	[smem:$0x3FA3] =	sst s0  }
0x9: {  	[smem:$0x3FA4] =	sst s1  }
0xa: {  	[smem:$0x3FA5] =	sst s2  }
0xb: {  	[smem:$0x3FA6] =	sst s3  }
0xc: {  	[smem:$0x3FA7] =	sst s4  }
0xd: {  	[smem:$0x3FA8] =	sst s5  }
0xe: {  	[smem:$0x3FA9] =	sst s6  }
0xf: {  	[smem:$0x3FAA] =	sst s7  }
0x10: {  	[smem:$0x3FAB] =	sst s8  }
0x11: {  	[smem:$0x3FAC] =	sst s9;
	s0 =	simm.s32 @!p0 $0x0  }
0x12: {  	s1 =	sld [smem:$0x3F92];
	s0 =	simm.s32 @p0 $0x1  }
0x13: {  	[smem:$0x3FAD] =	sst s0;
	s0 =	simm.s32 @!p1 $0x0  }
0x14: {  	s2 =	sld [smem:$0x3F91];
	s0 =	simm.s32 @p1 $0x1  }
0x15: {  	[smem:$0x3FAE] =	sst s0;
	s0 =	simm.s32 @!p2 $0x0  }
0x16: {  	s3 =	sld [smem:$0x3FDB];
	s0 =	simm.s32 @p2 $0x1  }
0x17: {  	s4 =	simm.s32 $0x1BF5;
	[smem:$0x3FB0] =	sst s0  }
0x18: {  	s0 =	sld [smem:$0x3F93];
	_ =	swait.ge [sflag:s4], $0x0  }
0x19: {  	s7 =	sld [smem:$0x3F94]  }
0x1a: {  	s8 =	sadd.s32 $0xFFFFE003, lr  }
0x1b: {  	s9 =	sadd.s32 $0xFFFFFEF7, lr;
	s5 =	simm.s32 $0xFFFFFFFF;
	p2 =	slt.u32 s8, $0xFFFFF086  }
0x1c: {  	p1 =	slt.u32 s9, $0xF7A;
	s5 =	simm.s32 @!p2 $0x0  }
0x1d: {  	s5 =	simm.s32 @p1 $0x1;
	p0 =	seq.s32 s7, s2  }
0x1e: {  	s7 =	smul.u32 @!p0 $0xF7A, s2;
	p2 =	seq.s32 @!p0 s5, $0x0  }
0x1f: {  	s9 =	smul.u32 $0xF7A, s1;
	s8 =	simm.s32 @!p0 $0x1BF5;
	p2 =	por !p2, p0  }
0x20: {  	[sflag:s8] =	ssyncset.s32 @!p0 $0xFFFFF086;
	s6 =	sadd.s32 @!p0 s3, s7;
	s7 =	simm.s32 @!p0 $0x108  }
0x21: {  	s3 =	sadd.s32 s3, s9;
	s6 =	sadd.s32 @!p0 $0x88, s6;
	s7 =	simm.s32 @p2 $0x1082  }
0x22: {  	[simem:s7], [sflag:s8] =	dma.local @!p0 [hbm:s6], $0xF7A  }
0x23: {  	s9 =	sor.u32 $0xD0000000, s2;
	s6 =	simm.s32 $0x108;
	_ =	swait.ge @!p0 [sflag:s8], $0x0  }
0x24: {  	s3 =	sadd.s32 $0x88, s3;
	s6 =	simm.s32 @!p1 $0x1082;
	[sflag:s4] =	ssyncset.s32 $0xFFFFF086  }
0x25: {  	[simem:s6], [sflag:s4] =	dma.local [hbm:s3], $0xF7A  }
0x26: {  	[smem:$0x3F94] =	sst s1;
	(tag) =	ssettag s2;
	_ =	strace s9  }
0x27: {  	s1 =	sld [smem:$0x3FA4]  }
0x28: {  	s2 =	sld [smem:$0x3FA5]  }
0x29: {  	s4 =	sld [smem:$0x3FA7]  }
0x2a: {  	p0 =	seq.s32 s5, $0x0;
	s5 =	sld [smem:$0x3FA8]  }
0x2b: {  	s6 =	sld [smem:$0x3FA9]  }
0x2c: {  	s7 =	sld [smem:$0x3FAA]  }
0x2d: {  	s3 =	simm.s32 $0x108;
	s8 =	sld [smem:$0x3FAB]  }
0x2e: {  	s3 =	simm.s32 @!p0 $0x1082;
	s9 =	sld [smem:$0x3FAC]  }
0x2f: {  	lr =	sadd.s32 s0, s3;
	s0 =	sld [smem:$0x3FA3]  }
0x30: {  	s3 =	sld [smem:$0x3FA6]  }
0x31: {  	[smem:$0x3FAF] =	sst s10  }
0x32: {  	s10 =	sld [smem:$0x3FAD];
	_ =	sdelay $0x3  }
0x33: {  	p0 =	seq.s32 s10, $0x1;
	s10 =	sld [smem:$0x3FAF];
	_ =	sdelay $0x3  }
0x34: {  	[smem:$0x3FAF] =	sst s10  }
0x35: {  	s10 =	sld [smem:$0x3FAE];
	_ =	sdelay $0x3  }
0x36: {  	p1 =	seq.s32 s10, $0x1;
	s10 =	sld [smem:$0x3FAF];
	_ =	sdelay $0x3  }
0x37: {  	[smem:$0x3FAF] =	sst s10  }
0x38: {  	s10 =	sld [smem:$0x3FB0]  }
0x39: {  	_ = 	snop;
	(pc) =	sbr.ind lr, $3  }
0x3a: {  	_ = 	snop  }
0x3b: {  	_ = 	snop  }
0x3c: {  	p2 =	seq.s32 s10, $0x1;
	s10 =	sld [smem:$0x3FAF]  }
0x3d: {  	_ =	shalt  }
0x3e: {  	_ =	shalt  }
0x3f: {  	_ =	shalt  }
0x40: {  	_ =	shalt  }
0x41: {  	_ =	shalt  }
0x42: {  	_ =	shalt  }
0x43: {  	_ =	shalt  }
0x44: {  	_ =	shalt  }
0x45: {  	_ =	shalt  }
0x46: {  	_ =	shalt  }
0x47: {  	_ =	shalt  }
0x48: {  	_ =	shalt  }
0x49: {  	_ =	shalt  }
0x4a: {  	_ =	shalt  }
0x4b: {  	_ =	shalt  }
0x4c: {  	_ =	shalt  }
0x4d: {  	_ =	shalt  }
0x4e: {  	_ =	shalt  }
0x4f: {  	_ =	shalt  }
0x50: {  	_ =	shalt  }
0x51: {  	_ =	shalt  }
0x52: {  	_ =	shalt  }
0x53: {  	_ =	shalt  }
0x54: {  	_ =	shalt  }
0x55: {  	_ =	shalt  }
0x56: {  	_ =	shalt  }
0x57: {  	_ =	shalt  }
0x58: {  	_ =	shalt  }
0x59: {  	_ =	shalt  }
0x5a: {  	_ =	shalt  }
0x5b: {  	_ =	shalt  }
0x5c: {  	_ =	shalt  }
0x5d: {  	_ =	shalt  }
0x5e: {  	_ =	shalt  }
0x5f: {  	_ =	shalt  }
0x60: {  	_ =	shalt  }
0x61: {  	_ =	shalt  }
0x62: {  	_ =	shalt  }
0x63: {  	_ =	shalt  }
0x64: {  	_ =	shalt  }
0x65: {  	_ =	shalt  }
0x66: {  	_ =	shalt  }
0x67: {  	_ =	shalt  }
0x68: {  	_ =	shalt  }
0x69: {  	_ =	shalt  }
0x6a: {  	_ =	shalt  }
0x6b: {  	_ =	shalt  }
0x6c: {  	_ =	shalt  }
0x6d: {  	_ =	shalt  }
0x6e: {  	_ =	shalt  }
0x6f: {  	_ =	shalt  }
0x70: {  	_ =	shalt  }
0x71: {  	_ =	shalt  }
0x72: {  	_ =	shalt  }
0x73: {  	_ =	shalt  }
0x74: {  	_ =	shalt  }
0x75: {  	_ =	shalt  }
0x76: {  	_ =	shalt  }
0x77: {  	_ =	shalt  }
0x78: {  	_ =	shalt  }
0x79: {  	_ =	shalt  }
0x7a: {  	_ =	shalt  }
0x7b: {  	_ =	shalt  }
0x7c: {  	_ =	shalt  }
0x7d: {  	_ =	shalt  }
0x7e: {  	_ =	shalt  }
0x7f: {  	_ =	shalt  }
0x80: {  	_ =	shalt  }
0x81: {  	_ =	shalt  }
0x82: {  	_ =	shalt  }
0x83: {  	_ =	shalt  }
0x84: {  	_ =	shalt  }
0x85: {  	_ =	shalt  }
0x86: {  	_ =	shalt  }
0x87: {  	_ =	shalt  }
.Lfunc_end0:
.L_simem_size_0:
called_computation_lowered:
.L_overlay_start_0:
0x88: {  	s2 =	sld [smem:$0x3FD9]  }
0x89: {  	s3 =	sld [smem:$0x3FFE];
	_ =	sdelay $0x1  }
0x8a: {  	s1 =	srdreg.scid  }
0x8b: {  	s0 =	sand.u32 $0x1, s1  }
0x8c: {  	s14 =	sshll.u32 s0, $0xA;
	s2 =	sadd.s32 s3, s2  }
0x8d: {  	s2 =	sadd.s32 s2, s14  }
0x8e: {  	[smem:$0x3FBB] =	sst s2  }
0x8f: {  	_ = 	snop  }
0x90: {  	s2 =	sld [smem:$0x3FD0];
	_ =	sdelay $0x2  }
0x91: {  	s15 =	simm.s32 $0xA;
	s4 =	simm.s32 $0x10  }
0x92: {  	[smem:s4], [sflag:s15] =	dma.local [hbm:s2], $0x1  }
0x93: {  	_ =	swait.eq [sflag:s15], $0x1  }
0x94: {  	[sflag:s15] =	ssyncset.done $0x0  }
0x95: {  	s16 =	sld [smem:$0x10];
	[sflag:s15] =	ssyncadd.s32 $0xFFFFFFFF  }
0x96: {  	s17 =	sld [smem:$0x11];
	(tm) =	ssettm $0x1  }
0x97: {  	s18 =	sld [smem:$0x3FFB];
	_ =	sdelay $0x3  }
0x98: {  	_ =	strace s18  }
0x99: {  	s4 =	sld [smem:$0x3FFC];
	_ =	sdelay $0x3  }
0x9a: {  	_ =	strace s4  }
0x9b: {  	s4 =	sld [smem:$0x3FFD];
	_ =	sdelay $0x3  }
0x9c: {  	_ =	strace s4  }
0x9d: {  	_ =	strace $0x8FFFFFFF  }
0x9e: {  	s19 =	sld [smem:$0x3FDB];
	_ =	sdelay $0x1  }
0x9f: {  	s5 =	simm.s32 $_scs_section_size  }
0xa0: {  	s6 =	simm.s32 $_size__tile_overlayer_lowered;
	s7 =	simm.s32 $_tile_overlayer_lowered  }
0xa1: {  	s22 =	simm.s32 $0x1BFF;
	s21 =	sshll.u32 s7, $0x1;
	s4 =	sadd.s32 s5, s19  }
0xa2: {  	s8 =	simm.s32 $0x0;
	s20 =	sshll.u32 s6, $0x1;
	s6 =	sadd.s32 s21, s4  }
0xa3: {  	[timem:s8], [sflag:s22] =	dma.local [hbm:s6], s20  }
0xa4: {  	_ =	swait.ge [sflag:s22], s20  }
0xa5: {  	s5 =	ssub.s32 $0x0, s20;
	[sflag:s22] =	ssyncset.done $0x0  }
0xa6: {  	[sflag:s22] =	ssyncadd.s32 s5;
	_ =	sdelay $0x1  }
0xa7: {  	s23 =	simm.s32 $0x1B8B  }
0xa8: {  	_ =	swait.ge [sflag:s23], $0x1  }
0xa9: {  	[sflag:s23] =	ssyncset.done $0x0  }
0xaa: {  	s25 =	simm.s32 $0x1B8E;
	s24 =	sld [smem:$0x3FFE];
	[sflag:s23] =	ssyncadd.s32 $0xFFFFFFFF  }
0xab: {  	s26 =	simm.s32 $execute0_lowered;
	[smem:$0x3FD2] =	sst s25  }
0xac: {  	s6 =	sshll.u32 s26, $0x1;
	_ =	strace $0x80000046;
	[dreg:$0x1] =	wrdreg $0xFFFFFFFF  }
0xad: {  	s28 =	simm.s32 $_size_execute0_lowered;
	s4 =	sadd.s32 s4, s6;
	[dreg:$0x0] =	wrdreg $0x0  }
0xae: {  	s6 =	sshll.u32 s28, $0x1;
	[dreg:$0x2] =	wrdreg s4  }
0xaf: {  	[dreg:$0x3] =	wrdreg s6  }
0xb0: {  	[dreg:$0x4] =	wrdreg $0xC0  }
0xb1: {  	_ =	task [dreg:s8], $0x5FFFF  }
0xb2: {  	[dreg:$0x1] =	wrdreg $0xFFFFFFFF  }
0xb3: {  	[dreg:$0x0] =	wrdreg $0x60  }
0xb4: {  	[dreg:$0x2] =	wrdreg s24  }
0xb5: {  	[dreg:$0x3] =	wrdreg s16  }
0xb6: {  	[dreg:$0x4] =	wrdreg s17  }
0xb7: {  	[dreg:$0x5] =	wrdreg $0x9  }
0xb8: {  	_ =	task.clear_ibuf [dreg:s8], $0x6FFFF;
	_ =	strace $0x90000046  }
0xb9: {  	s29 =	simm.s32 $0x9;
	_ =	strace $0x80000048  }
0xba: {  	_ =	swait.ge [sflag:s29], $0x1  }
0xbb: {  	[sflag:s29] =	ssyncadd.s32 $0xFFFFFFFF  }
0xbc: {  	_ =	strace $0x90000048  }
0xbd: {  	_ =	sfence  }
0xbe: {  	s30 =	sld [smem:$0x0];
	_ =	sdelay $0x2  }
0xbf: {  	s31 =	sshll.u32 s1, $0xD;
	s1 =	sshrl.u32 s1, $0x2  }
0xc0: {  	s3 =	sand.u32 $0x4000, s31;
	s1 =	sadd.s32 s1, s30  }
0xc1: {  	s0 =	sor.u32 s3, s0;
	s1 =	sshll.u32 s1, $0x11  }
0xc2: {  	s0 =	sor.u32 s1, s0  }
0xc3: {  	s0 =	sadd.s32 $0x8F2B, s0  }
0xc4: {  	[sflag:s0] =	ssyncadd.remote.s32 $0x1  }
0xc5: {  	_ =	sfence.sel $0xFFFF  }
0xc6: {  	[dreg:$0x0] =	wrdreg $0xFFFFFFFF;
	(pc) =	sbr.abs _section_cstart, $3  }
0xc7: {  	[dreg:$0x1] =	wrdreg $0xFFFFFFFF  }
0xc8: {  	_ =	task.clear_ibuf [dreg:s8], $0x2FFFF;
	_ =	strace $0x9FFFFFFF  }
0xc9: {  	(tm) =	ssettm $0x7FFFFFFF  }
tec
execute0_lowered:
.L_overlay_start_1:
0x0: {  	(tag) =	ssettag $0x1  }
0x1: {  	s3 =	rddreg [dreg:$0x0]  }
0x2: {  	s28 =	rddreg [dreg:$0x1]  }
0x3: {  	s26 =	rddreg [dreg:$0x2];
	s0 =	srdreg.scid;
	s2 =	simm.s32 $0x0  }
0x4: {  	s1 =	stileid.u32;
	s0 =	sand.u32 $0x1, s0;
	[smem:$0x7FF] =	sst s2  }
0x5: {  	s4 =	sshll.u32 s1, $0x6;
	s6 =	sadd.s32 $0x1600, s3;
	s5 =	sshll.u32 s0, $0x5  }
0x6: {  	_ =	strace $0x80000047;
	[dreg:$0x4] =	wrdreg s6;
	s3 =	sor.u32 s5, s4  }
0x7: {  	s17 =	rddreg [dreg:$0x4];
	s4 =	sor.u32 $0x400, s3  }
0x8: {  	[tilespmem:s2], [sflag:$0x2] =	stream.linear.gather [hbm4b:s17+s2], $0x1C00, $0x38;
	[tilespmem:$0x2400] =	vst v63  }
0x9: {  	s14 =	sor.u32 $0x800, s3;
	[dreg:$0x5] =	wrdreg s4  }
0xa: {  	s15 =	sor.u32 $0xC00, s3;
	[dreg:$0x6] =	wrdreg s14  }
0xb: {  	s16 =	sor.u32 $0x1000, s3;
	[dreg:$0x7] =	wrdreg s15  }
0xc: {  	s18 =	sor.u32 $0x1400, s3;
	[dreg:$0x8] =	wrdreg s16  }
0xd: {  	[dreg:$0x9] =	wrdreg s18;
	s4 =	simm.s32 $0x2  }
0xe: {  	_ =	swait.ge [sflag:s4], $0x1C00  }
0xf: {  	[sflag:s4] =	ssyncset.done $0x0  }
0x10: {  	[sflag:s4] =	ssyncadd.s32 $0xFFFFE400  }
0x11: {  	s19 =	rddreg [dreg:$0x5];
	v0 =	vld [tilespmem:s3+$0x0]  }
0x12: {  	s20 =	rddreg [dreg:$0x6];
	v1 =	vld [tilespmem:s19+$0x0]  }
0x13: {  	s7 =	rddreg [dreg:$0x7];
	v2 =	vld [tilespmem:s20+$0x0]  }
0x14: {  	s21 =	rddreg [dreg:$0x8];
	v3 =	vld [tilespmem:s7+$0x0]  }
0x15: {  	s22 =	rddreg [dreg:$0x9];
	v4 =	vld [tilespmem:s21+$0x0]  }
0x16: {  	s5 =	sor.u32 $0x1800, s3;
	v5 =	vld [tilespmem:s22+$0x0]  }
0x17: {  	v6 =	vld [tilespmem:s5+$0x0];
	v7 =	vmax.f32 v0, v1  }
0x18: {  	v7 =	vmax.f32 v7, v2  }
0x19: {  	v7 =	vmax.f32 v7, v3  }
0x1a: {  	v7 =	vmax.f32 v7, v4  }
0x1b: {  	v7 =	vmax.f32 v7, v5  }
0x1c: {  	v7 =	vmax.f32 v7, v6  }
0x1d: {  	v8 =	vsub.f32 v0, v7  }
0x1e: {  	v9 =	vsub.f32 v1, v7  }
0x1f: {  	v8 =	vmul.f32 $1.442695020e+00, v8  }
0x20: {  	v10 =	vsub.f32 v2, v7;
	v9 =	vmul.f32 $1.442695020e+00, v9  }
0x21: {  	(erf) = vpow2.f32 v8  }
0x22: {  	v21 =	vsub.f32 v3, v7;
	v10 =	vmul.f32 $1.442695020e+00, v10;
	(erf) = vpow2.f32 v9;
	_ =	sdelay $0x1  }
0x23: {  	v22 =	vsub.f32 v4, v7;
	v8 =	vmul.f32 $1.442695020e+00, v21;
	(erf) = vpow2.f32 v10;
	_ =	sdelay $0x1  }
0x24: {  	v23 =	vsub.f32 v5, v7;
	v9 =	vmul.f32 $1.442695020e+00, v22;
	(erf) = vpow2.f32 v8;
	_ =	sdelay $0x1  }
0x25: {  	v7 =	vsub.f32 v6, v7;
	v24 =	vmul.f32 $1.442695020e+00, v23;
	(erf) = vpow2.f32 v9;
	_ =	sdelay $0x1  }
0x26: {  	v7 =	vmul.f32 $1.442695020e+00, v7;
	v25 =	vpop (erf);
	(erf) = vpow2.f32 v24  }
0x27: {  	v26 =	vpop (erf)  }
0x28: {  	(erf) = vpow2.f32 v7;
	v9 =	vadd.f32 v26, v25  }
0x29: {  	v27 =	vpop (erf)  }
0x2a: {  	v9 =	vadd.f32 v9, v27  }
0x2b: {  	v28 =	vpop (erf)  }
0x2c: {  	v9 =	vadd.f32 v9, v28  }
0x2d: {  	v11 =	vpop (erf)  }
0x2e: {  	v9 =	vadd.f32 v9, v11  }
0x2f: {  	v12 =	vpop (erf)  }
0x30: {  	v9 =	vadd.f32 v9, v12  }
0x31: {  	v13 =	vpop (erf)  }
0x32: {  	vm0 =	vgt.f32 v1, v0;
	v9 =	vadd.f32 v9, v13  }
0x33: {  	v0 =	vsel vm0, v1, v0  }
0x34: {  	vm1 =	vgt.f32 v2, v0;
	(erf) = vrcp.f32 v9  }
0x35: {  	v1 =	vsel vm1, v2, v0  }
0x36: {  	vm2 =	vgt.f32 v3, v1  }
0x37: {  	v0 =	vimm.s32 $0x0;
	v1 =	vsel vm2, v3, v1  }
0x38: {  	v2 =	vsel vm0, $0x1, v0;
	vm9 =	vgt.f32 v4, v1  }
0x39: {  	v2 =	vsel vm1, $0x2, v2;
	v1 =	vsel vm9, v4, v1  }
0x3a: {  	v2 =	vsel vm2, $0x3, v2;
	vm10 =	vgt.f32 v5, v1  }
0x3b: {  	v2 =	vsel vm9, $0x4, v2;
	v3 =	vsel vm10, v5, v1  }
0x3c: {  	v1 =	vimm.f32 $0.0e+00;
	v29 =	vsel vm10, $0x5, v2;
	vm11 =	vgt.f32 v6, v3  }
0x3d: {  	v2 =	vimm.f32 $1.000000000e+00;
	v3 =	vsel vm11, $0x6, v29;
	v30 =	vsel vm11, $0x3F800000, v1;
	v31 =	vpop (erf)  }
0x3e: {  	vm12 =	vgt.u32 v3, $0x1;
	v32 =	vmul.f32 v31, v12;
	v33 =	vmul.f32 v31, v13  }
0x3f: {  	vm13 =	vgt.u32 v3, $0x2;
	vm14 =	vgt.u32 v3, $0x3;
	[tilespmem:$0x1E80] =	vst v30;
	v34 =	vsel vm12, $0x3F800000, v1  }
0x40: {  	v35 =	vsel vm13, $0x3F800000, v1;
	[tilespmem:$0x1C80] =	vst v34;
	v11 =	vmul.f32 v31, v11;
	v6 =	vadd.f32 v32, v33  }
0x41: {  	vm15 =	veq.s32 v3, $0x0;
	vm4 =	vgt.u32 v3, $0x4;
	v3 =	vsel vm14, $0x3F800000, v1;
	[tilespmem:$0x1D00] =	vst v35  }
0x42: {  	v36 =	vsel vm15, $0x0, v2;
	[tilespmem:$0x1D80] =	vst v3;
	v10 =	vmul.f32 v31, v28;
	v11 =	vadd.f32 v6, v11  }
0x43: {  	v3 =	vsel vm4, $0x3F800000, v1;
	[tilespmem:$0x1C00] =	vst v36  }
0x44: {  	[tilespmem:$0x1E00] =	vst v3;
	v37 =	vmul.f32 v31, v27;
	v38 =	vadd.f32 v11, v10  }
0x45: {  	[tilespmem:$0x2280] =	vst v33  }
0x46: {  	v3 =	vmul.f32 v31, v26;
	[tilespmem:$0x2200] =	vst v6;
	v4 =	vadd.f32 v38, v37  }
0x47: {  	[tilespmem:$0x2180] =	vst v11  }
0x48: {  	[tilespmem:$0x2100] =	vst v38;
	v3 =	vadd.f32 v4, v3  }
0x49: {  	[tilespmem:$0x2080] =	vst v4  }
0x4a: {  	[tilespmem:$0x2000] =	vst v3  }
0x4b: {  	v3 =	vld [tilespmem:s3+$0x10]  }
0x4c: {  	v4 =	vld [tilespmem:s3+$0x410]  }
0x4d: {  	v39 =	vld [tilespmem:s3+$0x810]  }
0x4e: {  	v6 =	vld [tilespmem:s3+$0xC10]  }
0x4f: {  	v7 =	vld [tilespmem:s3+$0x1010]  }
0x50: {  	v40 =	vld [tilespmem:s3+$0x1410]  }
0x51: {  	v9 =	vld [tilespmem:s3+$0x1810];
	v41 =	vmax.f32 v3, v4  }
0x52: {  	v10 =	vmax.f32 v41, v39  }
0x53: {  	v10 =	vmax.f32 v10, v6  }
0x54: {  	v10 =	vmax.f32 v10, v7  }
0x55: {  	v10 =	vmax.f32 v10, v40  }
0x56: {  	v10 =	vmax.f32 v10, v9  }
0x57: {  	v42 =	vsub.f32 v3, v10  }
0x58: {  	v43 =	vsub.f32 v4, v10  }
0x59: {  	v11 =	vmul.f32 $1.442695020e+00, v42  }
0x5a: {  	v44 =	vsub.f32 v39, v10;
	v12 =	vmul.f32 $1.442695020e+00, v43  }
0x5b: {  	(erf) = vpow2.f32 v11  }
0x5c: {  	v45 =	vsub.f32 v6, v10;
	v13 =	vmul.f32 $1.442695020e+00, v44;
	(erf) = vpow2.f32 v12;
	_ =	sdelay $0x1  }
0x5d: {  	v46 =	vsub.f32 v7, v10;
	v11 =	vmul.f32 $1.442695020e+00, v45;
	(erf) = vpow2.f32 v13;
	_ =	sdelay $0x1  }
0x5e: {  	v47 =	vsub.f32 v40, v10;
	v12 =	vmul.f32 $1.442695020e+00, v46;
	(erf) = vpow2.f32 v11;
	_ =	sdelay $0x1  }
0x5f: {  	v10 =	vsub.f32 v9, v10;
	v48 =	vmul.f32 $1.442695020e+00, v47;
	(erf) = vpow2.f32 v12;
	_ =	sdelay $0x1  }
0x60: {  	v10 =	vmul.f32 $1.442695020e+00, v10;
	v49 =	vpop (erf);
	(erf) = vpow2.f32 v48  }
0x61: {  	v50 =	vpop (erf)  }
0x62: {  	(erf) = vpow2.f32 v10;
	v12 =	vadd.f32 v50, v49  }
0x63: {  	v51 =	vpop (erf)  }
0x64: {  	v12 =	vadd.f32 v12, v51  }
0x65: {  	v52 =	vpop (erf)  }
0x66: {  	v12 =	vadd.f32 v12, v52  }
0x67: {  	v14 =	vpop (erf)  }
0x68: {  	v12 =	vadd.f32 v12, v14  }
0x69: {  	v15 =	vpop (erf)  }
0x6a: {  	v12 =	vadd.f32 v12, v15  }
0x6b: {  	v16 =	vpop (erf)  }
0x6c: {  	vm5 =	vgt.f32 v4, v3;
	v12 =	vadd.f32 v12, v16  }
0x6d: {  	v3 =	vsel vm5, v4, v3  }
0x6e: {  	vm6 =	vgt.f32 v39, v3;
	(erf) = vrcp.f32 v12  }
0x6f: {  	v3 =	vsel vm6, v39, v3  }
0x70: {  	vm7 =	vgt.f32 v6, v3  }
0x71: {  	v3 =	vsel vm7, v6, v3  }
0x72: {  	v53 =	vsel vm5, $0x1, v0;
	vm8 =	vgt.f32 v7, v3  }
0x73: {  	v4 =	vsel vm6, $0x2, v53;
	v3 =	vsel vm8, v7, v3  }
0x74: {  	v4 =	vsel vm7, $0x3, v4;
	vm9 =	vgt.f32 v40, v3  }
0x75: {  	v4 =	vsel vm8, $0x4, v4;
	v3 =	vsel vm9, v40, v3  }
0x76: {  	v4 =	vsel vm9, $0x5, v4;
	vm10 =	vgt.f32 v9, v3  }
0x77: {  	v3 =	vsel vm10, $0x6, v4;
	v54 =	vsel vm10, $0x3F800000, v1;
	v55 =	vpop (erf)  }
0x78: {  	vm11 =	vgt.u32 v3, $0x3;
	v56 =	vmul.f32 v55, v15;
	v57 =	vmul.f32 v55, v16  }
0x79: {  	vm12 =	veq.s32 v3, $0x0;
	[tilespmem:$0x1E90] =	vst v54;
	vm13 =	vgt.u32 v3, $0x2;
	v58 =	vsel vm11, $0x3F800000, v1  }
0x7a: {  	v59 =	vsel vm12, $0x0, v2;
	[tilespmem:$0x1D90] =	vst v58;
	v60 =	vmul.f32 v55, v14;
	v6 =	vadd.f32 v56, v57  }
0x7b: {  	vm14 =	vgt.u32 v3, $0x1;
	vm15 =	vgt.u32 v3, $0x4;
	v3 =	vsel vm13, $0x3F800000, v1;
	[tilespmem:$0x1C10] =	vst v59  }
0x7c: {  	v62 =	vsel vm14, $0x3F800000, v1;
	[tilespmem:$0x1D10] =	vst v3;
	v61 =	vmul.f32 v55, v52;
	v4 =	vadd.f32 v6, v60  }
0x7d: {  	v3 =	vsel vm15, $0x3F800000, v1;
	[tilespmem:$0x1C90] =	vst v62  }
0x7e: {  	[tilespmem:$0x1E10] =	vst v3;
	v3 =	vmul.f32 v55, v51;
	v8 =	vadd.f32 v4, v61  }
0x7f: {  	[tilespmem:$0x2290] =	vst v57  }
0x80: {  	s23 =	sshll.u32 s1, $0x9;
	v5 =	vmul.f32 v55, v50;
	[tilespmem:$0x2210] =	vst v6;
	v3 =	vadd.f32 v8, v3  }
0x81: {  	s6 =	sor.u32 s23, s3;
	[tilespmem:$0x2190] =	vst v4  }
0x82: {  	s6 =	sand.u32 $0x1C60, s6;
	[tilespmem:$0x2110] =	vst v8;
	v63 =	vadd.f32 v3, v5  }
0x83: {  	s25 =	sshrl.u32 s6, $0x3;
	[tilespmem:$0x2090] =	vst v3  }
0x84: {  	s24 =	simm.s32 $0x1C00;
	s6 =	sadd.s32 s28, s25;
	[tilespmem:$0x2010] =	vst v63  }
0x85: {  	[hbm4b:s6+s2] =	stream.linear.scatter [tilespmem:s24], [sflag:$0x1], $0x20, $0x38;
	[tilespmem:$0x2400] =	vst v63  }
0x86: {  	s8 =	sadd.s32 s26, s25;
	s12 =	sor.u32 $0x10, s25;
	s7 =	simm.s32 $0x2000  }
0x87: {  	[hbm4b:s8+s2] =	stream.linear.scatter [tilespmem:s7], [sflag:$0x1], $0x20, $0x38;
	[tilespmem:$0x2400] =	vst v63  }
0x88: {  	s11 =	simm.s32 $0x1C80;
	s10 =	sadd.s32 s28, s12  }
0x89: {  	[hbm4b:s10+s2] =	stream.linear.scatter [tilespmem:s11], [sflag:$0x1], $0x20, $0x38;
	[tilespmem:$0x2400] =	vst v63  }
0x8a: {  	s13 =	simm.s32 $0x2080;
	s16 =	sor.u32 $0x20, s25;
	s12 =	sadd.s32 s26, s12  }
0x8b: {  	[hbm4b:s12+s2] =	stream.linear.scatter [tilespmem:s13], [sflag:$0x1], $0x20, $0x38;
	[tilespmem:$0x2400] =	vst v63  }
0x8c: {  	s15 =	simm.s32 $0x1D00;
	s14 =	sadd.s32 s28, s16  }
0x8d: {  	[hbm4b:s14+s2] =	stream.linear.scatter [tilespmem:s15], [sflag:$0x1], $0x20, $0x38;
	[tilespmem:$0x2400] =	vst v63  }
0x8e: {  	s17 =	simm.s32 $0x2100;
	s16 =	sadd.s32 s26, s16;
	s20 =	sor.u32 $0x30, s25  }
0x8f: {  	[hbm4b:s16+s2] =	stream.linear.scatter [tilespmem:s17], [sflag:$0x1], $0x20, $0x38;
	[tilespmem:$0x2400] =	vst v63  }
0x90: {  	s19 =	simm.s32 $0x1D80;
	s18 =	sadd.s32 s28, s20  }
0x91: {  	[hbm4b:s18+s2] =	stream.linear.scatter [tilespmem:s19], [sflag:$0x1], $0x20, $0x38;
	[tilespmem:$0x2400] =	vst v63  }
0x92: {  	s21 =	simm.s32 $0x2180;
	s20 =	sadd.s32 s26, s20;
	s24 =	sor.u32 $0x40, s25  }
0x93: {  	[hbm4b:s20+s2] =	stream.linear.scatter [tilespmem:s21], [sflag:$0x1], $0x20, $0x38;
	[tilespmem:$0x2400] =	vst v63  }
0x94: {  	s23 =	simm.s32 $0x1E00;
	s22 =	sadd.s32 s28, s24  }
0x95: {  	[hbm4b:s22+s2] =	stream.linear.scatter [tilespmem:s23], [sflag:$0x1], $0x20, $0x38;
	[tilespmem:$0x2400] =	vst v63  }
0x96: {  	s30 =	sor.u32 $0x50, s25;
	s25 =	simm.s32 $0x2200;
	s24 =	sadd.s32 s26, s24  }
0x97: {  	[hbm4b:s24+s2] =	stream.linear.scatter [tilespmem:s25], [sflag:$0x1], $0x20, $0x38;
	[tilespmem:$0x2400] =	vst v63  }
0x98: {  	s29 =	simm.s32 $0x1E80;
	s28 =	sadd.s32 s28, s30  }
0x99: {  	[hbm4b:s28+s2] =	stream.linear.scatter [tilespmem:s29], [sflag:$0x1], $0x20, $0x38;
	[tilespmem:$0x2400] =	vst v63  }
0x9a: {  	s31 =	simm.s32 $0x2280;
	s30 =	sadd.s32 s26, s30;
	s26 =	simm.s32 $0x1  }
0x9b: {  	[hbm4b:s30+s2] =	stream.linear.scatter [tilespmem:s31], [sflag:$0x1], $0x20, $0x38;
	[tilespmem:$0x2400] =	vst v63  }
0x9c: {  	_ =	swait.ge [sflag:s26], $0x20  }
0x9d: {  	[sflag:s26] =	ssyncset.done $0x0  }
0x9e: {  	[sflag:s26] =	ssyncadd.s32 $0xFFFFFFE0  }
0x9f: {  	_ =	swait.ge [sflag:s26], $0x20  }
0xa0: {  	[sflag:s26] =	ssyncset.done $0x0  }
0xa1: {  	[sflag:s26] =	ssyncadd.s32 $0xFFFFFFE0  }
0xa2: {  	_ =	swait.ge [sflag:s26], $0x20  }
0xa3: {  	[sflag:s26] =	ssyncset.done $0x0  }
0xa4: {  	[sflag:s26] =	ssyncadd.s32 $0xFFFFFFE0  }
0xa5: {  	_ =	swait.ge [sflag:s26], $0x20  }
0xa6: {  	[sflag:s26] =	ssyncset.done $0x0  }
0xa7: {  	[sflag:s26] =	ssyncadd.s32 $0xFFFFFFE0  }
0xa8: {  	_ =	swait.ge [sflag:s26], $0x20  }
0xa9: {  	[sflag:s26] =	ssyncset.done $0x0  }
0xaa: {  	[sflag:s26] =	ssyncadd.s32 $0xFFFFFFE0  }
0xab: {  	_ =	swait.ge [sflag:s26], $0x20  }
0xac: {  	[sflag:s26] =	ssyncset.done $0x0  }
0xad: {  	[sflag:s26] =	ssyncadd.s32 $0xFFFFFFE0  }
0xae: {  	_ =	swait.ge [sflag:s26], $0x20  }
0xaf: {  	[sflag:s26] =	ssyncset.done $0x0  }
0xb0: {  	s0 =	ssub.s32 $0x2, s0;
	[sflag:s26] =	ssyncadd.s32 $0xFFFFFFE0  }
0xb1: {  	s9 =	sshrl.u32 s0, $0x1;
	_ =	swait.ge [sflag:s26], $0x20  }
0xb2: {  	s0 =	ssub.s32 s0, s9;
	[sflag:s26] =	ssyncset.done $0x0  }
0xb3: {  	s0 =	smax.u32 s0, $0x1;
	[sflag:s26] =	ssyncadd.s32 $0xFFFFFFE0  }
0xb4: {  	p0 =	sne.s32 s0, $0x1;
	_ =	swait.ge [sflag:s26], $0x20  }
.Ltmp0:
0xb5: {  	[sflag:s26] =	ssyncset.done $0x0;
	(pc) =	sbr.rel @!p0 .LBB2_2-.Ltmp0, $4  }
0xb6: {  	[sflag:s26] =	ssyncadd.s32 $0xFFFFFFE0  }
0xb7: {  	_ =	swait.ge [sflag:s26], $0x20  }
0xb8: {  	[sflag:s26] =	ssyncset.done $0x0  }
0xb9: {  	s0 =	sadd.s32 $0xFFFFFFFF, s0;
	[sflag:s26] =	ssyncadd.s32 $0xFFFFFFE0  }
.LBB2_1:
0xba: {  	_ =	swait.ge [sflag:s26], $0x20  }
0xbb: {  	[sflag:s26] =	ssyncset.done $0x0  }
0xbc: {  	[sflag:s26] =	ssyncadd.s32 $0xFFFFFFE0  }
0xbd: {  	_ =	swait.ge [sflag:s26], $0x20  }
0xbe: {  	[sflag:s26] =	ssyncset.done $0x0  }
0xbf: {  	s1 =	rddreg [dreg:$0x4];
	[sflag:s26] =	ssyncadd.s32 $0xFFFFFFE0  }
0xc0: {  	[tilespmem:s2], [sflag:$0x2] =	stream.linear.gather [hbm4b:s1+s2], $0x1C00, $0x38;
	[tilespmem:$0x2400] =	vst v63  }
0xc1: {  	_ =	swait.ge [sflag:s4], $0x1C00  }
0xc2: {  	[sflag:s4] =	ssyncset.done $0x0  }
0xc3: {  	[sflag:s4] =	ssyncadd.s32 $0xFFFFE400  }
0xc4: {  	s1 =	rddreg [dreg:$0x5];
	v3 =	vld [tilespmem:s3+$0x0]  }
0xc5: {  	s7 =	rddreg [dreg:$0x6];
	v4 =	vld [tilespmem:s1+$0x0]  }
0xc6: {  	s9 =	rddreg [dreg:$0x7];
	v5 =	vld [tilespmem:s7+$0x0]  }
0xc7: {  	s1 =	rddreg [dreg:$0x8];
	v6 =	vld [tilespmem:s9+$0x0]  }
0xc8: {  	s7 =	rddreg [dreg:$0x9];
	v7 =	vld [tilespmem:s1+$0x0]  }
0xc9: {  	v8 =	vld [tilespmem:s7+$0x0]  }
0xca: {  	v9 =	vld [tilespmem:s5+$0x0];
	v10 =	vmax.f32 v3, v4  }
0xcb: {  	v10 =	vmax.f32 v10, v5  }
0xcc: {  	v10 =	vmax.f32 v10, v6  }
0xcd: {  	v10 =	vmax.f32 v10, v7  }
0xce: {  	vm0 =	vgt.f32 v4, v3;
	v10 =	vmax.f32 v10, v8  }
0xcf: {  	v11 =	vsel vm0, v4, v3;
	v10 =	vmax.f32 v10, v9  }
0xd0: {  	vm1 =	vgt.f32 v5, v11;
	v3 =	vsub.f32 v3, v10  }
0xd1: {  	v11 =	vsel vm1, v5, v11;
	v4 =	vsub.f32 v4, v10  }
0xd2: {  	vm10 =	vgt.f32 v6, v11;
	v3 =	vmul.f32 $1.442695020e+00, v3  }
0xd3: {  	v11 =	vsel vm10, v6, v11;
	v5 =	vsub.f32 v5, v10;
	v4 =	vmul.f32 $1.442695020e+00, v4  }
0xd4: {  	vm11 =	vgt.f32 v7, v11;
	(erf) = vpow2.f32 v3  }
0xd5: {  	v6 =	vsub.f32 v6, v10;
	v5 =	vmul.f32 $1.442695020e+00, v5;
	(erf) = vpow2.f32 v4  }
0xd6: {  	v11 =	vsel vm11, v7, v11  }
0xd7: {  	v7 =	vsub.f32 v7, v10;
	v6 =	vmul.f32 $1.442695020e+00, v6;
	(erf) = vpow2.f32 v5  }
0xd8: {  	v13 =	vsub.f32 v8, v10  }
0xd9: {  	v7 =	vmul.f32 $1.442695020e+00, v7;
	(erf) = vpow2.f32 v6  }
0xda: {  	v3 =	vmul.f32 $1.442695020e+00, v13  }
0xdb: {  	v10 =	vsub.f32 v9, v10;
	(erf) = vpow2.f32 v7;
	_ =	sdelay $0x1  }
0xdc: {  	v10 =	vmul.f32 $1.442695020e+00, v10;
	v38 =	vpop (erf);
	(erf) = vpow2.f32 v3  }
0xdd: {  	vm12 =	vgt.f32 v8, v11;
	v3 =	vpop (erf)  }
0xde: {  	v8 =	vsel vm12, v8, v11;
	(erf) = vpow2.f32 v10;
	v11 =	vadd.f32 v3, v38  }
0xdf: {  	v39 =	vpop (erf)  }
0xe0: {  	v11 =	vadd.f32 v11, v39  }
0xe1: {  	v40 =	vpop (erf)  }
0xe2: {  	v11 =	vadd.f32 v11, v40  }
0xe3: {  	v41 =	vpop (erf)  }
0xe4: {  	v11 =	vadd.f32 v11, v41  }
0xe5: {  	v14 =	vpop (erf)  }
0xe6: {  	v11 =	vadd.f32 v11, v14  }
0xe7: {  	v15 =	vpop (erf)  }
0xe8: {  	v11 =	vadd.f32 v11, v15;
	_ =	sdelay $0x1  }
0xe9: {  	(erf) = vrcp.f32 v11;
	_ =	sdelay $0x3  }
0xea: {  	v12 =	vsel vm0, $0x1, v0  }
0xeb: {  	v12 =	vsel vm1, $0x2, v12  }
0xec: {  	v12 =	vsel vm10, $0x3, v12  }
0xed: {  	v31 =	vsel vm11, $0x4, v12  }
0xee: {  	vm13 =	vgt.f32 v9, v8;
	v4 =	vsel vm12, $0x5, v31  }
0xef: {  	v32 =	vsel vm13, $0x3F800000, v1;
	v4 =	vsel vm13, $0x6, v4;
	v11 =	vpop (erf)  }
0xf0: {  	vm15 =	vgt.u32 v4, $0x1;
	v14 =	vmul.f32 v11, v14;
	v15 =	vmul.f32 v11, v15  }
0xf1: {  	[tilespmem:$0x1E80] =	vst v32;
	vm2 =	vgt.u32 v4, $0x2;
	vm3 =	vgt.u32 v4, $0x3;
	v36 =	vsel vm15, $0x3F800000, v1  }
0xf2: {  	v33 =	vsel vm2, $0x3F800000, v1;
	[tilespmem:$0x1C80] =	vst v36;
	v42 =	vmul.f32 v11, v41;
	v43 =	vadd.f32 v14, v15  }
0xf3: {  	vm14 =	veq.s32 v4, $0x0;
	vm4 =	vgt.u32 v4, $0x4;
	v34 =	vsel vm3, $0x3F800000, v1;
	[tilespmem:$0x1D00] =	vst v33  }
0xf4: {  	v35 =	vsel vm14, $0x0, v2;
	[tilespmem:$0x1D80] =	vst v34;
	v44 =	vmul.f32 v11, v40;
	v5 =	vadd.f32 v43, v42  }
0xf5: {  	v37 =	vsel vm4, $0x3F800000, v1;
	[tilespmem:$0x1C00] =	vst v35  }
0xf6: {  	[tilespmem:$0x1E00] =	vst v37;
	v10 =	vmul.f32 v11, v39;
	v4 =	vadd.f32 v5, v44  }
0xf7: {  	[tilespmem:$0x2280] =	vst v15  }
0xf8: {  	v3 =	vmul.f32 v11, v3;
	[tilespmem:$0x2200] =	vst v43;
	v45 =	vadd.f32 v4, v10  }
0xf9: {  	[tilespmem:$0x2180] =	vst v5  }
0xfa: {  	[tilespmem:$0x2100] =	vst v4;
	v3 =	vadd.f32 v45, v3  }
0xfb: {  	[tilespmem:$0x2080] =	vst v45  }
0xfc: {  	[tilespmem:$0x2000] =	vst v3  }
0xfd: {  	v3 =	vld [tilespmem:s3+$0x10]  }
0xfe: {  	v4 =	vld [tilespmem:s3+$0x410]  }
0xff: {  	v5 =	vld [tilespmem:s3+$0x810]  }
0x100: {  	v6 =	vld [tilespmem:s3+$0xC10]  }
0x101: {  	v7 =	vld [tilespmem:s3+$0x1010]  }
0x102: {  	v8 =	vld [tilespmem:s3+$0x1410]  }
0x103: {  	v9 =	vld [tilespmem:s3+$0x1810];
	v46 =	vmax.f32 v3, v4  }
0x104: {  	v10 =	vmax.f32 v46, v5  }
0x105: {  	v10 =	vmax.f32 v10, v6  }
0x106: {  	v10 =	vmax.f32 v10, v7  }
0x107: {  	vm5 =	vgt.f32 v4, v3;
	v10 =	vmax.f32 v10, v8  }
0x108: {  	v47 =	vsel vm5, v4, v3;
	v10 =	vmax.f32 v10, v9  }
0x109: {  	vm6 =	vgt.f32 v5, v47;
	v3 =	vsub.f32 v3, v10  }
0x10a: {  	v11 =	vsel vm6, v5, v47;
	v4 =	vsub.f32 v4, v10  }
0x10b: {  	vm7 =	vgt.f32 v6, v11;
	v3 =	vmul.f32 $1.442695020e+00, v3  }
0x10c: {  	v11 =	vsel vm7, v6, v11;
	v5 =	vsub.f32 v5, v10;
	v4 =	vmul.f32 $1.442695020e+00, v4  }
0x10d: {  	vm8 =	vgt.f32 v7, v11;
	(erf) = vpow2.f32 v3  }
0x10e: {  	v6 =	vsub.f32 v6, v10;
	v5 =	vmul.f32 $1.442695020e+00, v5;
	(erf) = vpow2.f32 v4  }
0x10f: {  	v11 =	vsel vm8, v7, v11  }
0x110: {  	v7 =	vsub.f32 v7, v10;
	v6 =	vmul.f32 $1.442695020e+00, v6;
	(erf) = vpow2.f32 v5;
	_ =	sdelay $0x1  }
0x111: {  	v49 =	vsub.f32 v8, v10;
	v7 =	vmul.f32 $1.442695020e+00, v7;
	(erf) = vpow2.f32 v6;
	_ =	sdelay $0x1  }
0x112: {  	v10 =	vsub.f32 v9, v10;
	v3 =	vmul.f32 $1.442695020e+00, v49;
	(erf) = vpow2.f32 v7;
	_ =	sdelay $0x1  }
0x113: {  	v10 =	vmul.f32 $1.442695020e+00, v10;
	v56 =	vpop (erf);
	(erf) = vpow2.f32 v3  }
0x114: {  	v58 =	vpop (erf)  }
0x115: {  	(erf) = vpow2.f32 v10;
	v5 =	vadd.f32 v58, v56  }
0x116: {  	v3 =	vpop (erf)  }
0x117: {  	v5 =	vadd.f32 v5, v3  }
0x118: {  	v59 =	vpop (erf)  }
0x119: {  	v5 =	vadd.f32 v5, v59  }
0x11a: {  	v60 =	vpop (erf)  }
0x11b: {  	v5 =	vadd.f32 v5, v60  }
0x11c: {  	v61 =	vpop (erf)  }
0x11d: {  	v5 =	vadd.f32 v5, v61  }
0x11e: {  	v62 =	vpop (erf)  }
0x11f: {  	v5 =	vadd.f32 v5, v62;
	_ =	sdelay $0x1  }
0x120: {  	(erf) = vrcp.f32 v5;
	_ =	sdelay $0x2  }
0x121: {  	v48 =	vsel vm5, $0x1, v0  }
0x122: {  	v12 =	vsel vm6, $0x2, v48  }
0x123: {  	v12 =	vsel vm7, $0x3, v12;
	vm9 =	vgt.f32 v8, v11  }
0x124: {  	v50 =	vsel vm8, $0x4, v12;
	v8 =	vsel vm9, v8, v11  }
0x125: {  	vm10 =	vgt.f32 v9, v8;
	v4 =	vsel vm9, $0x5, v50  }
0x126: {  	v4 =	vsel vm10, $0x6, v4  }
0x127: {  	v51 =	vsel vm10, $0x3F800000, v1;
	vm11 =	veq.s32 v4, $0x0;
	vm12 =	vgt.u32 v4, $0x1;
	v5 =	vpop (erf)  }
0x128: {  	vm14 =	vgt.u32 v4, $0x3;
	v8 =	vmul.f32 v5, v61;
	v9 =	vmul.f32 v5, v62  }
0x129: {  	[tilespmem:$0x1E90] =	vst v51;
	vm13 =	vgt.u32 v4, $0x2;
	vm15 =	vgt.u32 v4, $0x4;
	v53 =	vsel vm14, $0x3F800000, v1  }
0x12a: {  	v54 =	vsel vm11, $0x0, v2;
	[tilespmem:$0x1D90] =	vst v53;
	v7 =	vmul.f32 v5, v60;
	v8 =	vadd.f32 v8, v9  }
0x12b: {  	v52 =	vsel vm13, $0x3F800000, v1;
	v57 =	vsel vm15, $0x3F800000, v1;
	[tilespmem:$0x1C10] =	vst v54;
	v3 =	vmul.f32 v5, v3  }
0x12c: {  	[tilespmem:$0x1D10] =	vst v52;
	v4 =	vmul.f32 v5, v58;
	v5 =	vmul.f32 v5, v59;
	v63 =	vadd.f32 v8, v7  }
0x12d: {  	v55 =	vsel vm12, $0x3F800000, v1;
	[tilespmem:$0x1E10] =	vst v57  }
0x12e: {  	[tilespmem:$0x1C90] =	vst v55;
	v5 =	vadd.f32 v63, v5  }
0x12f: {  	[tilespmem:$0x2290] =	vst v9  }
0x130: {  	[tilespmem:$0x2210] =	vst v8;
	v3 =	vadd.f32 v5, v3  }
0x131: {  	[tilespmem:$0x2190] =	vst v63  }
0x132: {  	[tilespmem:$0x2090] =	vst v3;
	v3 =	vadd.f32 v3, v4  }
0x133: {  	[tilespmem:$0x2110] =	vst v5  }
0x134: {  	s7 =	simm.s32 $0x1C00;
	[tilespmem:$0x2010] =	vst v3  }
0x135: {  	[hbm4b:s6+s2] =	stream.linear.scatter [tilespmem:s7], [sflag:$0x1], $0x20, $0x38;
	[tilespmem:$0x2400] =	vst v63  }
0x136: {  	s9 =	simm.s32 $0x2000  }
0x137: {  	[hbm4b:s8+s2] =	stream.linear.scatter [tilespmem:s9], [sflag:$0x1], $0x20, $0x38;
	[tilespmem:$0x2400] =	vst v63  }
0x138: {  	_ = 	snop  }
0x139: {  	[hbm4b:s10+s2] =	stream.linear.scatter [tilespmem:s11], [sflag:$0x1], $0x20, $0x38;
	[tilespmem:$0x2400] =	vst v63  }
0x13a: {  	_ = 	snop  }
0x13b: {  	[hbm4b:s12+s2] =	stream.linear.scatter [tilespmem:s13], [sflag:$0x1], $0x20, $0x38;
	[tilespmem:$0x2400] =	vst v63  }
0x13c: {  	_ = 	snop  }
0x13d: {  	[hbm4b:s14+s2] =	stream.linear.scatter [tilespmem:s15], [sflag:$0x1], $0x20, $0x38;
	[tilespmem:$0x2400] =	vst v63  }
0x13e: {  	_ = 	snop  }
0x13f: {  	[hbm4b:s16+s2] =	stream.linear.scatter [tilespmem:s17], [sflag:$0x1], $0x20, $0x38;
	[tilespmem:$0x2400] =	vst v63  }
0x140: {  	_ = 	snop  }
0x141: {  	[hbm4b:s18+s2] =	stream.linear.scatter [tilespmem:s19], [sflag:$0x1], $0x20, $0x38;
	[tilespmem:$0x2400] =	vst v63  }
0x142: {  	_ = 	snop  }
0x143: {  	[hbm4b:s20+s2] =	stream.linear.scatter [tilespmem:s21], [sflag:$0x1], $0x20, $0x38;
	[tilespmem:$0x2400] =	vst v63  }
0x144: {  	_ = 	snop  }
0x145: {  	[hbm4b:s22+s2] =	stream.linear.scatter [tilespmem:s23], [sflag:$0x1], $0x20, $0x38;
	[tilespmem:$0x2400] =	vst v63  }
0x146: {  	_ = 	snop  }
0x147: {  	[hbm4b:s24+s2] =	stream.linear.scatter [tilespmem:s25], [sflag:$0x1], $0x20, $0x38;
	[tilespmem:$0x2400] =	vst v63  }
0x148: {  	_ = 	snop  }
0x149: {  	[hbm4b:s28+s2] =	stream.linear.scatter [tilespmem:s29], [sflag:$0x1], $0x20, $0x38;
	[tilespmem:$0x2400] =	vst v63  }
0x14a: {  	_ = 	snop  }
0x14b: {  	[hbm4b:s30+s2] =	stream.linear.scatter [tilespmem:s31], [sflag:$0x1], $0x20, $0x38;
	[tilespmem:$0x2400] =	vst v63  }
0x14c: {  	_ =	swait.ge [sflag:s26], $0x20  }
0x14d: {  	[sflag:s26] =	ssyncset.done $0x0  }
0x14e: {  	[sflag:s26] =	ssyncadd.s32 $0xFFFFFFE0  }
0x14f: {  	_ =	swait.ge [sflag:s26], $0x20  }
0x150: {  	[sflag:s26] =	ssyncset.done $0x0  }
0x151: {  	[sflag:s26] =	ssyncadd.s32 $0xFFFFFFE0  }
0x152: {  	_ =	swait.ge [sflag:s26], $0x20  }
0x153: {  	[sflag:s26] =	ssyncset.done $0x0  }
0x154: {  	[sflag:s26] =	ssyncadd.s32 $0xFFFFFFE0  }
0x155: {  	_ =	swait.ge [sflag:s26], $0x20  }
0x156: {  	[sflag:s26] =	ssyncset.done $0x0  }
0x157: {  	[sflag:s26] =	ssyncadd.s32 $0xFFFFFFE0  }
0x158: {  	_ =	swait.ge [sflag:s26], $0x20  }
0x159: {  	[sflag:s26] =	ssyncset.done $0x0  }
0x15a: {  	[sflag:s26] =	ssyncadd.s32 $0xFFFFFFE0  }
0x15b: {  	_ =	swait.ge [sflag:s26], $0x20  }
0x15c: {  	[sflag:s26] =	ssyncset.done $0x0  }
0x15d: {  	[sflag:s26] =	ssyncadd.s32 $0xFFFFFFE0  }
0x15e: {  	_ =	swait.ge [sflag:s26], $0x20  }
0x15f: {  	[sflag:s26] =	ssyncset.done $0x0  }
0x160: {  	[sflag:s26] =	ssyncadd.s32 $0xFFFFFFE0  }
0x161: {  	_ =	swait.ge [sflag:s26], $0x20  }
0x162: {  	[sflag:s26] =	ssyncset.done $0x0  }
0x163: {  	[sflag:s26] =	ssyncadd.s32 $0xFFFFFFE0  }
0x164: {  	p0 =	sne.s32 s0, $0x1;
	_ =	swait.ge [sflag:s26], $0x20  }
.Ltmp1:
0x165: {  	[sflag:s26] =	ssyncset.done $0x0;
	(pc) =	sbr.rel @p0 .LBB2_1-.Ltmp1, $4  }
0x166: {  	[sflag:s26] =	ssyncadd.s32 $0xFFFFFFE0  }
0x167: {  	_ =	swait.ge [sflag:s26], $0x20  }
0x168: {  	[sflag:s26] =	ssyncset.done $0x0  }
0x169: {  	s0 =	sadd.s32 $0xFFFFFFFF, s0;
	[sflag:s26] =	ssyncadd.s32 $0xFFFFFFE0  }
.LBB2_2:
0x16a: {  	_ =	swait.ge [sflag:s26], $0x20  }
0x16b: {  	[sflag:s26] =	ssyncset.done $0x0  }
0x16c: {  	[sflag:s26] =	ssyncadd.s32 $0xFFFFFFE0  }
0x16d: {  	_ =	swait.ge [sflag:s26], $0x20  }
0x16e: {  	[sflag:s26] =	ssyncset.done $0x0  }
0x16f: {  	[sflag:s26] =	ssyncadd.s32 $0xFFFFFFE0  }
0x170: {  	_ =	sfence.sel $0x180000  }
0x171: {  	[bflag:$0x0] =	sbarrier.arrive $0xFFFF  }
0x172: {  	_ =	strace $0x90000047  }
0x173: {  	s0 =	stileid.u32;
	[bflag:$0x2] =	sbarrier.arrive $0xFFFF  }
0x174: {  	p0 =	sne.s32 s0, $0x0;
	s0 =	rddreg [dreg:$0x3]  }
0x175: {  	s0 =	sadd.s32 @!p0 $0x100000, s0  }
0x176: {  	[sflag:s0] =	ssyncadd.tile.s32 @!p0 $0x1;
	_ =	shalt  }
.Lfunc_end2:
_tile_overlayer_lowered:
.L_overlay_start_2:
0x177: {  	(tag) =	ssettag $0x2  }
0x178: {  	s0 =	rddreg [dreg:$0x0];
	s2 =	stileid.u32  }
0x179: {  	s1 =	rddreg [dreg:$0x1];
	p0 =	sne.s32 s2, $0x0  }
0x17a: {  	s3 =	rddreg [dreg:$0x2];
	[bflag:$0x3] =	sbarrier.arrive $0xFFFF;
	s2 =	simm.s32 @!p0 $0x1C02  }
0x17b: {  	[timem:s3], [sflag:s2] =	dma.local @!p0 [hbm:s0], s1  }
0x17c: {  	s0 =	simm.s32 @!p0 $0x2  }
0x17d: {  	_ =	swait.ge @!p0 [sflag:s0], s1  }
0x17e: {  	s1 =	ssub.s32 @!p0 $0x0, s1;
	[sflag:s0] =	ssyncset.done @!p0 $0x0  }
0x17f: {  	[sflag:s0] =	ssyncadd.s32 @!p0 s1  }
0x180: {  	[bflag:$0x3] =	sbarrier.arrive $0xFFFF  }
0x181: {  	_ =	shalt  }

</sc_bundles>
